<compile_context>
chip_gen: v7x
topology: tpu7x:2x2x1
jax: 0.10.2.dev20260603
libtpu: 0.0.44.dev20260713+nightly
codegen_flags: <defaults>
</compile_context>

<pallas_src>
import functools

import jax
import jax.numpy as jnp
from jax import lax
from jax.experimental import pallas as pl
from jax.experimental.pallas import tpu as pltpu
from jax.experimental.pallas import tpu_sc as plsc

VOCAB = 100000
D = 256
N_MID = 128
N_OUT = 2
B = 4096
L = 50
LANES = 16
CHUNKS = D // LANES


def _sc_pool(emb, idx3):
    info = plsc.get_sparse_core_info()
    NC, NS = info.num_cores, info.num_subcores
    NW = NC * NS
    S_PER_W = B // NW
    PAIRS = S_PER_W // 2
    ROWS = 2 * L
    RPAD = 104

    mesh = plsc.VectorSubcoreMesh(core_axis_name="c", subcore_axis_name="s")

    @functools.partial(
        pl.kernel,
        mesh=mesh,
        out_type=jax.ShapeDtypeStruct((B, D), jnp.float32),
        scratch_types=[
            pltpu.VMEM((PAIRS, RPAD), jnp.int32),
            pltpu.VMEM((2, 128, D), jnp.float32),
            pltpu.VMEM((S_PER_W, D), jnp.float32),
            pltpu.SemaphoreType.DMA,
            pltpu.SemaphoreType.DMA,
        ],
    )
    def pool(emb_hbm, idx_hbm, out_hbm, idx_v, rows_v, acc_v, sem0, sem1):
        wid = lax.axis_index("s") * NC + lax.axis_index("c")
        pltpu.sync_copy(idx_hbm.at[wid], idx_v)
        sems = (sem0, sem1)

        def start(r, b):
            pltpu.make_async_copy(
                emb_hbm.at[idx_v.at[r]], rows_v.at[b, pl.ds(0, RPAD)], sems[b]
            ).start()

        def wait(b):
            pltpu.make_async_copy(
                emb_hbm.at[idx_v.at[0]], rows_v.at[b, pl.ds(0, RPAD)], sems[b]
            ).wait()

        def accum(r, b):
            for s in range(2):
                def jbody(j, carry):
                    row = s * L + j
                    return tuple(
                        carry[c] + rows_v[b, row, pl.ds(c * LANES, LANES)]
                        for c in range(CHUNKS)
                    )
                init = tuple(
                    rows_v[b, s * L, pl.ds(c * LANES, LANES)]
                    for c in range(CHUNKS)
                )
                acc = lax.fori_loop(1, L, jbody, init)
                samp = 2 * r + s
                for c in range(CHUNKS):
                    acc_v[samp, pl.ds(c * LANES, LANES)] = acc[c]

        start(0, 0)

        def outer(i, carry):
            for b in range(2):
                r = 2 * i + b

                @pl.when(r + 1 < PAIRS)
                def _():
                    start(r + 1, 1 - b)

                wait(b)
                accum(r, b)
            return carry

        lax.fori_loop(0, PAIRS // 2, outer, 0)
        pltpu.sync_copy(acc_v, out_hbm.at[pl.ds(wid * S_PER_W, S_PER_W)])

    return pool(emb, idx3)


def _mlp_tc(x2, mask, W1, b1, W2, b2):
    BLK = 1024

    def body(x2_ref, mask_ref, w1_ref, b1_ref, w2_ref, b2_ref, out_ref):
        m = jnp.sum(mask_ref[...], axis=1, keepdims=True)
        x3 = x2_ref[...] / m
        h1 = jnp.tanh(
            lax.dot_general(
                x3, w1_ref[...], (((1,), (1,)), ((), ())),
                preferred_element_type=jnp.float32,
                precision=lax.Precision.HIGHEST,
            )
            + b1_ref[...]
        )
        out_ref[...] = (
            lax.dot_general(
                h1, w2_ref[...], (((1,), (1,)), ((), ())),
                preferred_element_type=jnp.float32,
                precision=lax.Precision.HIGHEST,
            )
            + b2_ref[...]
        )

    return pl.pallas_call(
        body,
        grid=(B // BLK,),
        in_specs=[
            pl.BlockSpec((BLK, D), lambda i: (i, 0)),
            pl.BlockSpec((BLK, L), lambda i: (i, 0)),
            pl.BlockSpec((N_MID, D), lambda i: (0, 0)),
            pl.BlockSpec((1, N_MID), lambda i: (0, 0)),
            pl.BlockSpec((N_OUT, N_MID), lambda i: (0, 0)),
            pl.BlockSpec((1, N_OUT), lambda i: (0, 0)),
        ],
        out_specs=pl.BlockSpec((BLK, N_OUT), lambda i: (i, 0)),
        out_shape=jax.ShapeDtypeStruct((B, N_OUT), jnp.float32),
    )(x2, mask, W1, b1.reshape(1, N_MID), W2, b2.reshape(1, N_OUT))


def kernel(x, mask, emb, W1, b1, W2, b2):
    info = plsc.get_sparse_core_info()
    NW = info.num_cores * info.num_subcores
    idx3 = x.astype(jnp.int32).reshape(NW, (B // NW) // 2, 2 * L)
    PAIRS = (B // NW) // 2
    pad = (
        jnp.arange(NW * PAIRS * 4, dtype=jnp.int32).reshape(NW, PAIRS, 4)
        * 97
    ) % VOCAB
    idx3 = jnp.concatenate([idx3, pad], axis=2)
    x2 = _sc_pool(emb, idx3)
    return _mlp_tc(x2, mask, W1, b1, W2, b2)

# --- scband reference (transcript-rebuilt; emitter-appended) ---
"""Pipeline reference for scband-mlp-65420941853389 (READ-ONLY COPY).

The authoritative reference and input builder live on the scoring server;
editing this copy changes nothing except your own understanding.
"""

import jax, jax.numpy as jnp
import numpy as np

VOCAB = 100000
N_IN = 256
N_MID = 128
N_OUT = 2
B = 4096
L = 50

def setup_inputs(seed: int = 0) -> dict:
    key = jax.random.key(seed)
    k_x, k_emb, k_w1, k_b1, k_w2, k_b2 = jax.random.split(key, 6)
    x = jax.random.randint(k_x, (B, L), 0, VOCAB, dtype=jnp.int64 if jax.config.jax_enable_x64 else jnp.int32).astype(jnp.int32)
    mask = jnp.ones((B, L), dtype=jnp.float32)
    emb = jax.random.normal(k_emb, (VOCAB, N_IN), dtype=jnp.float32)
    # torch.nn.Linear default init: U(-1/sqrt(fan_in), 1/sqrt(fan_in))
    lim1 = 1.0 / np.sqrt(N_IN)
    W1 = jax.random.uniform(k_w1, (N_MID, N_IN), minval=-lim1, maxval=lim1, dtype=jnp.float32)
    b1 = jax.random.uniform(k_b1, (N_MID,), minval=-lim1, maxval=lim1, dtype=jnp.float32)
    lim2 = 1.0 / np.sqrt(N_MID)
    W2 = jax.random.uniform(k_w2, (N_OUT, N_MID), minval=-lim2, maxval=lim2, dtype=jnp.float32)
    b2 = jax.random.uniform(k_b2, (N_OUT,), minval=-lim2, maxval=lim2, dtype=jnp.float32)
    return {"x": x, "mask": mask, "emb": emb, "W1": W1, "b1": b1, "W2": W2, "b2": b2}

def reference(x, mask, emb, W1, b1, W2, b2):
    # e = self.embd(x)
    e = jnp.take(emb, x, axis=0)            # [B, L, N_IN] gather
    # x2 = e.sum(dim=1)
    x2 = e.sum(axis=1)                       # [B, N_IN]
    # mask2 = mask.sum(dim=1, keepdim=True, dtype=float32)
    mask2 = mask.sum(axis=1, keepdims=True).astype(jnp.float32)  # [B, 1]
    x3 = x2 / mask2
    # h1 = tanh(l1(x3)); torch Linear: y = x @ W.T + b
    h1 = jnp.tanh(x3 @ W1.T + b1)
    h2 = h1 @ W2.T + b2
    return h2

if __name__ == "__main__":
    import jax
    _d = setup_inputs()
    print(jax.jit(kernel)(*tuple(_d.values())))

</pallas_src>

<mosaic_0001>
#map = affine_map<(d0, d1) -> (0, 0)>
#map1 = affine_map<(d0, d1) -> (0, 0, 0)>
module attributes {stable_mosaic.version = 14 : i64} {
  func.func @pool(%arg0: i32, %arg1: i32, %arg2: memref<100000x256xf32, #tpu.memory_space<hbm>>, %arg3: memref<32x64x104xi32, #tpu.memory_space<hbm>>, %arg4: memref<4096x256xf32, #tpu.memory_space<hbm>>, %arg5: memref<64x104xi32, #tpu.memory_space<vmem>>, %arg6: memref<2x128x256xf32, #tpu.memory_space<vmem>>, %arg7: memref<128x256xf32, #tpu.memory_space<vmem>>, %arg8: memref<!tpu.dma_semaphore, #tpu.memory_space<semaphore_mem>>, %arg9: memref<!tpu.dma_semaphore, #tpu.memory_space<semaphore_mem>>) attributes {dimension_semantics = [#tpu.dimension_semantics<core_parallel>, #tpu.dimension_semantics<subcore_parallel>], iteration_bounds = array<i64: 2, 16>, scalar_prefetch = 0 : i64, scratch_operands = 5 : i64, tpu.core_type = #tpu.core_type<sc_vector_subcore>, window_params = [{transform_indices = #map}, {transform_indices = #map1}, {transform_indices = #map}]} {
    %mul3A = arith.constant 2 : i32
    %mul3A_0 = arith.muli %arg1, %mul3A : i32
    %add3A = arith.addi %mul3A_0, %arg0 : i32
    "tpu.region"() ({
      %run_scoped3A = tpu.sem_alloc : memref<!tpu.dma_semaphore, #tpu.memory_space<semaphore_mem>>
      %dma_start3A_19 = arith.constant 0 : i32
      %dma_start3A_20 = arith.constant 0 : i32
      %dma_start3A_21 = tpu.memref_slice %arg3[%add3A, %dma_start3A_19, %dma_start3A_20] : memref<32x64x104xi32, #tpu.memory_space<hbm>> -> memref<1x64x104xi32, #tpu.memory_space<hbm>>
      %dma_start3A_22 = tpu.memref_squeeze %dma_start3A_21 : memref<1x64x104xi32, #tpu.memory_space<hbm>> -> memref<64x104xi32, #tpu.memory_space<hbm>>
      %dma_start3A_23 = arith.constant 0 : i32
      %dma_start3A_24 = arith.constant 0 : i32
      %dma_start3A_25 = tpu.memref_slice %arg3[%add3A, %dma_start3A_23, %dma_start3A_24] : memref<32x64x104xi32, #tpu.memory_space<hbm>> -> memref<1x64x104xi32, #tpu.memory_space<hbm>>
      %dma_start3A_26 = tpu.memref_squeeze %dma_start3A_25 : memref<1x64x104xi32, #tpu.memory_space<hbm>> -> memref<64x104xi32, #tpu.memory_space<hbm>>
      tpu.enqueue_dma source(%dma_start3A_26 : memref<64x104xi32, #tpu.memory_space<hbm>>) target(%arg5 : memref<64x104xi32, #tpu.memory_space<vmem>>) target_semaphore(%run_scoped3A : memref<!tpu.dma_semaphore, #tpu.memory_space<semaphore_mem>>)
      %dma_wait3A = arith.constant 0 : i32
      %dma_wait3A_27 = arith.constant 0 : i32
      %dma_wait3A_28 = tpu.memref_slice %arg3[%add3A, %dma_wait3A, %dma_wait3A_27] : memref<32x64x104xi32, #tpu.memory_space<hbm>> -> memref<1x64x104xi32, #tpu.memory_space<hbm>>
      %dma_wait3A_29 = tpu.memref_squeeze %dma_wait3A_28 : memref<1x64x104xi32, #tpu.memory_space<hbm>> -> memref<64x104xi32, #tpu.memory_space<hbm>>
      %dma_wait3A_30 = arith.constant 0 : i32
      %dma_wait3A_31 = arith.constant 0 : i32
      %dma_wait3A_32 = tpu.memref_slice %arg3[%add3A, %dma_wait3A_30, %dma_wait3A_31] : memref<32x64x104xi32, #tpu.memory_space<hbm>> -> memref<1x64x104xi32, #tpu.memory_space<hbm>>
      %dma_wait3A_33 = tpu.memref_squeeze %dma_wait3A_32 : memref<1x64x104xi32, #tpu.memory_space<hbm>> -> memref<64x104xi32, #tpu.memory_space<hbm>>
      tpu.wait_dma2 semaphore(%run_scoped3A : memref<!tpu.dma_semaphore, #tpu.memory_space<semaphore_mem>>) src(%dma_wait3A_33 : memref<64x104xi32, #tpu.memory_space<hbm>>) dst(%arg5 : memref<64x104xi32, #tpu.memory_space<vmem>>)
      tpu.yield
    }) : () -> ()
    %dma_start3A = arith.constant 0 : i32
    %dma_start3A_1 = arith.constant 0 : i32
    %dma_start3A_2 = arith.constant 0 : i32
    %dma_start3A_3 = arith.constant 0 : i32
    %dma_start3A_4 = tpu.memref_slice %arg6[%dma_start3A_1, %dma_start3A_2, %dma_start3A_3] : memref<2x128x256xf32, #tpu.memory_space<vmem>> -> memref<1x104x256xf32, #tpu.memory_space<vmem>>
    %dma_start3A_5 = tpu.memref_squeeze %dma_start3A_4 : memref<1x104x256xf32, #tpu.memory_space<vmem>> -> memref<104x256xf32, #tpu.memory_space<vmem>>
    %dma_start3A_6 = arith.constant 0 : i32
    %dma_start3A_7 = tpu.memref_slice %arg5[%dma_start3A, %dma_start3A_6] : memref<64x104xi32, #tpu.memory_space<vmem>> -> memref<1x104xi32, #tpu.memory_space<vmem>>
    %dma_start3A_8 = tpu.memref_squeeze %dma_start3A_7 : memref<1x104xi32, #tpu.memory_space<vmem>> -> memref<104xi32, #tpu.memory_space<vmem>>
    %dma_start3A_9 = arith.constant 0 : i32
    %dma_start3A_10 = arith.constant 0 : i32
    %dma_start3A_11 = tpu.memref_slice %arg2[%dma_start3A_9, %dma_start3A_10] : memref<100000x256xf32, #tpu.memory_space<hbm>> -> memref<100000x256xf32, #tpu.memory_space<hbm>>
    tpu.enqueue_indirect_dma source(%dma_start3A_11 : memref<100000x256xf32, #tpu.memory_space<hbm>>) target(%dma_start3A_5 : memref<104x256xf32, #tpu.memory_space<vmem>>) offsets(%dma_start3A_8 : memref<104xi32, #tpu.memory_space<vmem>>) semaphore(%arg8 : memref<!tpu.dma_semaphore, #tpu.memory_space<semaphore_mem>>)
    %scan3A = arith.constant 0 : i32
    %scan3A_12 = arith.constant 0 : i32
    %scan3A_13 = arith.constant 32 : i32
    %scan3A_14 = arith.addi %scan3A_12, %scan3A_13 : i32
    %scan3A_15 = arith.constant 1 : i32
    scf.for %scan3A_19 = %scan3A_12 to %scan3A_14 step %scan3A_15  : i32 {
      %mul3A_20 = arith.constant 2 : i32
      %mul3A_21 = arith.muli %mul3A_20, %scan3A_19 : i32
      %add3A_22 = arith.constant 0 : i32
      %add3A_23 = arith.addi %mul3A_21, %add3A_22 : i32
      %add3A_24 = arith.constant 1 : i32
      %add3A_25 = arith.addi %add3A_23, %add3A_24 : i32
      %lt3A = arith.constant 64 : i32
      %lt3A_26 = arith.cmpi slt, %add3A_25, %lt3A : i32
      %convert_element_type3A = arith.extui %lt3A_26 : i1 to i32
      %cond3A = arith.constant 0 : i32
      %cond3A_27 = arith.cmpi ne, %convert_element_type3A, %cond3A : i32
      scf.if %cond3A_27 {
        %add3A_868 = arith.constant 1 : i32
        %add3A_869 = arith.addi %add3A_23, %add3A_868 : i32
        %dma_start3A_870 = arith.constant 1 : i32
        %dma_start3A_871 = arith.constant 0 : i32
        %dma_start3A_872 = arith.constant 0 : i32
        %dma_start3A_873 = tpu.memref_slice %arg6[%dma_start3A_870, %dma_start3A_871, %dma_start3A_872] : memref<2x128x256xf32, #tpu.memory_space<vmem>> -> memref<1x104x256xf32, #tpu.memory_space<vmem>>
        %dma_start3A_874 = tpu.memref_squeeze %dma_start3A_873 : memref<1x104x256xf32, #tpu.memory_space<vmem>> -> memref<104x256xf32, #tpu.memory_space<vmem>>
        %dma_start3A_875 = arith.constant 0 : i32
        %dma_start3A_876 = tpu.memref_slice %arg5[%add3A_869, %dma_start3A_875] : memref<64x104xi32, #tpu.memory_space<vmem>> -> memref<1x104xi32, #tpu.memory_space<vmem>>
        %dma_start3A_877 = tpu.memref_squeeze %dma_start3A_876 : memref<1x104xi32, #tpu.memory_space<vmem>> -> memref<104xi32, #tpu.memory_space<vmem>>
        %dma_start3A_878 = arith.constant 0 : i32
        %dma_start3A_879 = arith.constant 0 : i32
        %dma_start3A_880 = tpu.memref_slice %arg2[%dma_start3A_878, %dma_start3A_879] : memref<100000x256xf32, #tpu.memory_space<hbm>> -> memref<100000x256xf32, #tpu.memory_space<hbm>>
        tpu.enqueue_indirect_dma source(%dma_start3A_880 : memref<100000x256xf32, #tpu.memory_space<hbm>>) target(%dma_start3A_874 : memref<104x256xf32, #tpu.memory_space<vmem>>) offsets(%dma_start3A_877 : memref<104xi32, #tpu.memory_space<vmem>>) semaphore(%arg9 : memref<!tpu.dma_semaphore, #tpu.memory_space<semaphore_mem>>)
      } else {
      }
      %dma_wait3A = arith.constant 0 : i32
      %dma_wait3A_28 = arith.constant 0 : i32
      %dma_wait3A_29 = arith.constant 0 : i32
      %dma_wait3A_30 = arith.constant 0 : i32
      %dma_wait3A_31 = tpu.memref_slice %arg6[%dma_wait3A_28, %dma_wait3A_29, %dma_wait3A_30] : memref<2x128x256xf32, #tpu.memory_space<vmem>> -> memref<1x104x256xf32, #tpu.memory_space<vmem>>
      %dma_wait3A_32 = tpu.memref_squeeze %dma_wait3A_31 : memref<1x104x256xf32, #tpu.memory_space<vmem>> -> memref<104x256xf32, #tpu.memory_space<vmem>>
      %dma_wait3A_33 = arith.constant 0 : i32
      %dma_wait3A_34 = tpu.memref_slice %arg5[%dma_wait3A, %dma_wait3A_33] : memref<64x104xi32, #tpu.memory_space<vmem>> -> memref<1x104xi32, #tpu.memory_space<vmem>>
      %dma_wait3A_35 = tpu.memref_squeeze %dma_wait3A_34 : memref<1x104xi32, #tpu.memory_space<vmem>> -> memref<104xi32, #tpu.memory_space<vmem>>
      %dma_wait3A_36 = arith.constant 0 : i32
      %dma_wait3A_37 = arith.constant 0 : i32
      %dma_wait3A_38 = tpu.memref_slice %arg2[%dma_wait3A_36, %dma_wait3A_37] : memref<100000x256xf32, #tpu.memory_space<hbm>> -> memref<100000x256xf32, #tpu.memory_space<hbm>>
      tpu.wait_indirect_dma semaphore(%arg8 : memref<!tpu.dma_semaphore, #tpu.memory_space<semaphore_mem>>) src(%dma_wait3A_38 : memref<100000x256xf32, #tpu.memory_space<hbm>>) dst(%dma_wait3A_32 : memref<104x256xf32, #tpu.memory_space<vmem>>)
      %get3A = arith.constant 0 : i32
      %get3A_39 = arith.constant 0 : i32
      %get3A_40 = arith.index_cast %get3A : i32 to index
      %get3A_41 = arith.index_cast %get3A_39 : i32 to index
      %get3A_42 = arith.constant 0 : index
      %get3A_43 = tpu.vector_load %arg6[%get3A_40, %get3A_41, %get3A_42] {strides = array<i32>} : memref<2x128x256xf32, #tpu.memory_space<vmem>>, vector<1x1x16xf32>,
      %get3A_44 = vector.shape_cast %get3A_43 : vector<1x1x16xf32> to vector<16xf32>
      %get3A_45 = arith.constant 0 : i32
      %get3A_46 = arith.constant 0 : i32
      %get3A_47 = arith.index_cast %get3A_45 : i32 to index
      %get3A_48 = arith.index_cast %get3A_46 : i32 to index
      %get3A_49 = arith.constant 16 : index
      %get3A_50 = tpu.vector_load %arg6[%get3A_47, %get3A_48, %get3A_49] {strides = array<i32>} : memref<2x128x256xf32, #tpu.memory_space<vmem>>, vector<1x1x16xf32>,
      %get3A_51 = vector.shape_cast %get3A_50 : vector<1x1x16xf32> to vector<16xf32>
      %get3A_52 = arith.constant 0 : i32
      %get3A_53 = arith.constant 0 : i32
      %get3A_54 = arith.index_cast %get3A_52 : i32 to index
      %get3A_55 = arith.index_cast %get3A_53 : i32 to index
      %get3A_56 = arith.constant 32 : index
      %get3A_57 = tpu.vector_load %arg6[%get3A_54, %get3A_55, %get3A_56] {strides = array<i32>} : memref<2x128x256xf32, #tpu.memory_space<vmem>>, vector<1x1x16xf32>,
      %get3A_58 = vector.shape_cast %get3A_57 : vector<1x1x16xf32> to vector<16xf32>
      %get3A_59 = arith.constant 0 : i32
      %get3A_60 = arith.constant 0 : i32
      %get3A_61 = arith.index_cast %get3A_59 : i32 to index
      %get3A_62 = arith.index_cast %get3A_60 : i32 to index
      %get3A_63 = arith.constant 48 : index
      %get3A_64 = tpu.vector_load %arg6[%get3A_61, %get3A_62, %get3A_63] {strides = array<i32>} : memref<2x128x256xf32, #tpu.memory_space<vmem>>, vector<1x1x16xf32>,
      %get3A_65 = vector.shape_cast %get3A_64 : vector<1x1x16xf32> to vector<16xf32>
      %get3A_66 = arith.constant 0 : i32
      %get3A_67 = arith.constant 0 : i32
      %get3A_68 = arith.index_cast %get3A_66 : i32 to index
      %get3A_69 = arith.index_cast %get3A_67 : i32 to index
      %get3A_70 = arith.constant 64 : index
      %get3A_71 = tpu.vector_load %arg6[%get3A_68, %get3A_69, %get3A_70] {strides = array<i32>} : memref<2x128x256xf32, #tpu.memory_space<vmem>>, vector<1x1x16xf32>,
      %get3A_72 = vector.shape_cast %get3A_71 : vector<1x1x16xf32> to vector<16xf32>
      %get3A_73 = arith.constant 0 : i32
      %get3A_74 = arith.constant 0 : i32
      %get3A_75 = arith.index_cast %get3A_73 : i32 to index
      %get3A_76 = arith.index_cast %get3A_74 : i32 to index
      %get3A_77 = arith.constant 80 : index
      %get3A_78 = tpu.vector_load %arg6[%get3A_75, %get3A_76, %get3A_77] {strides = array<i32>} : memref<2x128x256xf32, #tpu.memory_space<vmem>>, vector<1x1x16xf32>,
      %get3A_79 = vector.shape_cast %get3A_78 : vector<1x1x16xf32> to vector<16xf32>
      %get3A_80 = arith.constant 0 : i32
      %get3A_81 = arith.constant 0 : i32
      %get3A_82 = arith.index_cast %get3A_80 : i32 to index
      %get3A_83 = arith.index_cast %get3A_81 : i32 to index
      %get3A_84 = arith.constant 96 : index
      %get3A_85 = tpu.vector_load %arg6[%get3A_82, %get3A_83, %get3A_84] {strides = array<i32>} : memref<2x128x256xf32, #tpu.memory_space<vmem>>, vector<1x1x16xf32>,
      %get3A_86 = vector.shape_cast %get3A_85 : vector<1x1x16xf32> to vector<16xf32>
      %get3A_87 = arith.constant 0 : i32
      %get3A_88 = arith.constant 0 : i32
      %get3A_89 = arith.index_cast %get3A_87 : i32 to index
      %get3A_90 = arith.index_cast %get3A_88 : i32 to index
      %get3A_91 = arith.constant 112 : index
      %get3A_92 = tpu.vector_load %arg6[%get3A_89, %get3A_90, %get3A_91] {strides = array<i32>} : memref<2x128x256xf32, #tpu.memory_space<vmem>>, vector<1x1x16xf32>,
      %get3A_93 = vector.shape_cast %get3A_92 : vector<1x1x16xf32> to vector<16xf32>
      %get3A_94 = arith.constant 0 : i32
      %get3A_95 = arith.constant 0 : i32
      %get3A_96 = arith.index_cast %get3A_94 : i32 to index
      %get3A_97 = arith.index_cast %get3A_95 : i32 to index
      %get3A_98 = arith.constant 128 : index
      %get3A_99 = tpu.vector_load %arg6[%get3A_96, %get3A_97, %get3A_98] {strides = array<i32>} : memref<2x128x256xf32, #tpu.memory_space<vmem>>, vector<1x1x16xf32>,
      %get3A_100 = vector.shape_cast %get3A_99 : vector<1x1x16xf32> to vector<16xf32>
      %get3A_101 = arith.constant 0 : i32
      %get3A_102 = arith.constant 0 : i32
      %get3A_103 = arith.index_cast %get3A_101 : i32 to index
      %get3A_104 = arith.index_cast %get3A_102 : i32 to index
      %get3A_105 = arith.constant 144 : index
      %get3A_106 = tpu.vector_load %arg6[%get3A_103, %get3A_104, %get3A_105] {strides = array<i32>} : memref<2x128x256xf32, #tpu.memory_space<vmem>>, vector<1x1x16xf32>,
      %get3A_107 = vector.shape_cast %get3A_106 : vector<1x1x16xf32> to vector<16xf32>
      %get3A_108 = arith.constant 0 : i32
      %get3A_109 = arith.constant 0 : i32
      %get3A_110 = arith.index_cast %get3A_108 : i32 to index
      %get3A_111 = arith.index_cast %get3A_109 : i32 to index
      %get3A_112 = arith.constant 160 : index
      %get3A_113 = tpu.vector_load %arg6[%get3A_110, %get3A_111, %get3A_112] {strides = array<i32>} : memref<2x128x256xf32, #tpu.memory_space<vmem>>, vector<1x1x16xf32>,
      %get3A_114 = vector.shape_cast %get3A_113 : vector<1x1x16xf32> to vector<16xf32>
      %get3A_115 = arith.constant 0 : i32
      %get3A_116 = arith.constant 0 : i32
      %get3A_117 = arith.index_cast %get3A_115 : i32 to index
      %get3A_118 = arith.index_cast %get3A_116 : i32 to index
      %get3A_119 = arith.constant 176 : index
      %get3A_120 = tpu.vector_load %arg6[%get3A_117, %get3A_118, %get3A_119] {strides = array<i32>} : memref<2x128x256xf32, #tpu.memory_space<vmem>>, vector<1x1x16xf32>,
      %get3A_121 = vector.shape_cast %get3A_120 : vector<1x1x16xf32> to vector<16xf32>
      %get3A_122 = arith.constant 0 : i32
      %get3A_123 = arith.constant 0 : i32
      %get3A_124 = arith.index_cast %get3A_122 : i32 to index
      %get3A_125 = arith.index_cast %get3A_123 : i32 to index
      %get3A_126 = arith.constant 192 : index
      %get3A_127 = tpu.vector_load %arg6[%get3A_124, %get3A_125, %get3A_126] {strides = array<i32>} : memref<2x128x256xf32, #tpu.memory_space<vmem>>, vector<1x1x16xf32>,
      %get3A_128 = vector.shape_cast %get3A_127 : vector<1x1x16xf32> to vector<16xf32>
      %get3A_129 = arith.constant 0 : i32
      %get3A_130 = arith.constant 0 : i32
      %get3A_131 = arith.index_cast %get3A_129 : i32 to index
      %get3A_132 = arith.index_cast %get3A_130 : i32 to index
      %get3A_133 = arith.constant 208 : index
      %get3A_134 = tpu.vector_load %arg6[%get3A_131, %get3A_132, %get3A_133] {strides = array<i32>} : memref<2x128x256xf32, #tpu.memory_space<vmem>>, vector<1x1x16xf32>,
      %get3A_135 = vector.shape_cast %get3A_134 : vector<1x1x16xf32> to vector<16xf32>
      %get3A_136 = arith.constant 0 : i32
      %get3A_137 = arith.constant 0 : i32
      %get3A_138 = arith.index_cast %get3A_136 : i32 to index
      %get3A_139 = arith.index_cast %get3A_137 : i32 to index
      %get3A_140 = arith.constant 224 : index
      %get3A_141 = tpu.vector_load %arg6[%get3A_138, %get3A_139, %get3A_140] {strides = array<i32>} : memref<2x128x256xf32, #tpu.memory_space<vmem>>, vector<1x1x16xf32>,
      %get3A_142 = vector.shape_cast %get3A_141 : vector<1x1x16xf32> to vector<16xf32>
      %get3A_143 = arith.constant 0 : i32
      %get3A_144 = arith.constant 0 : i32
      %get3A_145 = arith.index_cast %get3A_143 : i32 to index
      %get3A_146 = arith.index_cast %get3A_144 : i32 to index
      %get3A_147 = arith.constant 240 : index
      %get3A_148 = tpu.vector_load %arg6[%get3A_145, %get3A_146, %get3A_147] {strides = array<i32>} : memref<2x128x256xf32, #tpu.memory_space<vmem>>, vector<1x1x16xf32>,
      %get3A_149 = vector.shape_cast %get3A_148 : vector<1x1x16xf32> to vector<16xf32>
      %scan3A_150 = arith.constant 1 : i32
      %scan3A_151 = arith.constant 49 : i32
      %scan3A_152 = arith.addi %scan3A_150, %scan3A_151 : i32
      %scan3A_153 = arith.constant 1 : i32
      %scan3A_154:16 = scf.for %scan3A_868 = %scan3A_150 to %scan3A_152 step %scan3A_153 iter_args(%scan3A_869 = %get3A_44, %scan3A_870 = %get3A_51, %scan3A_871 = %get3A_58, %scan3A_872 = %get3A_65, %scan3A_873 = %get3A_72, %scan3A_874 = %get3A_79, %scan3A_875 = %get3A_86, %scan3A_876 = %get3A_93, %scan3A_877 = %get3A_100, %scan3A_878 = %get3A_107, %scan3A_879 = %get3A_114, %scan3A_880 = %get3A_121, %scan3A_881 = %get3A_128, %scan3A_882 = %get3A_135, %scan3A_883 = %get3A_142, %scan3A_884 = %get3A_149) -> (vector<16xf32>, vector<16xf32>, vector<16xf32>, vector<16xf32>, vector<16xf32>, vector<16xf32>, vector<16xf32>, vector<16xf32>, vector<16xf32>, vector<16xf32>, vector<16xf32>, vector<16xf32>, vector<16xf32>, vector<16xf32>, vector<16xf32>, vector<16xf32>)  : i32 {
        %add3A_885 = arith.constant 0 : i32
        %add3A_886 = arith.addi %add3A_885, %scan3A_868 : i32
        %get3A_887 = arith.constant 0 : i32
        %get3A_888 = arith.index_cast %get3A_887 : i32 to index
        %get3A_889 = arith.index_cast %add3A_886 : i32 to index
        %get3A_890 = arith.constant 0 : index
        %get3A_891 = tpu.vector_load %arg6[%get3A_888, %get3A_889, %get3A_890] {strides = array<i32>} : memref<2x128x256xf32, #tpu.memory_space<vmem>>, vector<1x1x16xf32>,
        %get3A_892 = vector.shape_cast %get3A_891 : vector<1x1x16xf32> to vector<16xf32>
        %add3A_893 = arith.addf %scan3A_869, %get3A_892 : vector<16xf32>
        %get3A_894 = arith.constant 0 : i32
        %get3A_895 = arith.index_cast %get3A_894 : i32 to index
        %get3A_896 = arith.index_cast %add3A_886 : i32 to index
        %get3A_897 = arith.constant 16 : index
        %get3A_898 = tpu.vector_load %arg6[%get3A_895, %get3A_896, %get3A_897] {strides = array<i32>} : memref<2x128x256xf32, #tpu.memory_space<vmem>>, vector<1x1x16xf32>,
        %get3A_899 = vector.shape_cast %get3A_898 : vector<1x1x16xf32> to vector<16xf32>
        %add3A_900 = arith.addf %scan3A_870, %get3A_899 : vector<16xf32>
        %get3A_901 = arith.constant 0 : i32
        %get3A_902 = arith.index_cast %get3A_901 : i32 to index
        %get3A_903 = arith.index_cast %add3A_886 : i32 to index
        %get3A_904 = arith.constant 32 : index
        %get3A_905 = tpu.vector_load %arg6[%get3A_902, %get3A_903, %get3A_904] {strides = array<i32>} : memref<2x128x256xf32, #tpu.memory_space<vmem>>, vector<1x1x16xf32>,
        %get3A_906 = vector.shape_cast %get3A_905 : vector<1x1x16xf32> to vector<16xf32>
        %add3A_907 = arith.addf %scan3A_871, %get3A_906 : vector<16xf32>
        %get3A_908 = arith.constant 0 : i32
        %get3A_909 = arith.index_cast %get3A_908 : i32 to index
        %get3A_910 = arith.index_cast %add3A_886 : i32 to index
        %get3A_911 = arith.constant 48 : index
        %get3A_912 = tpu.vector_load %arg6[%get3A_909, %get3A_910, %get3A_911] {strides = array<i32>} : memref<2x128x256xf32, #tpu.memory_space<vmem>>, vector<1x1x16xf32>,
        %get3A_913 = vector.shape_cast %get3A_912 : vector<1x1x16xf32> to vector<16xf32>
        %add3A_914 = arith.addf %scan3A_872, %get3A_913 : vector<16xf32>
        %get3A_915 = arith.constant 0 : i32
        %get3A_916 = arith.index_cast %get3A_915 : i32 to index
        %get3A_917 = arith.index_cast %add3A_886 : i32 to index
        %get3A_918 = arith.constant 64 : index
        %get3A_919 = tpu.vector_load %arg6[%get3A_916, %get3A_917, %get3A_918] {strides = array<i32>} : memref<2x128x256xf32, #tpu.memory_space<vmem>>, vector<1x1x16xf32>,
        %get3A_920 = vector.shape_cast %get3A_919 : vector<1x1x16xf32> to vector<16xf32>
        %add3A_921 = arith.addf %scan3A_873, %get3A_920 : vector<16xf32>
        %get3A_922 = arith.constant 0 : i32
        %get3A_923 = arith.index_cast %get3A_922 : i32 to index
        %get3A_924 = arith.index_cast %add3A_886 : i32 to index
        %get3A_925 = arith.constant 80 : index
        %get3A_926 = tpu.vector_load %arg6[%get3A_923, %get3A_924, %get3A_925] {strides = array<i32>} : memref<2x128x256xf32, #tpu.memory_space<vmem>>, vector<1x1x16xf32>,
        %get3A_927 = vector.shape_cast %get3A_926 : vector<1x1x16xf32> to vector<16xf32>
        %add3A_928 = arith.addf %scan3A_874, %get3A_927 : vector<16xf32>
        %get3A_929 = arith.constant 0 : i32
        %get3A_930 = arith.index_cast %get3A_929 : i32 to index
        %get3A_931 = arith.index_cast %add3A_886 : i32 to index
        %get3A_932 = arith.constant 96 : index
        %get3A_933 = tpu.vector_load %arg6[%get3A_930, %get3A_931, %get3A_932] {strides = array<i32>} : memref<2x128x256xf32, #tpu.memory_space<vmem>>, vector<1x1x16xf32>,
        %get3A_934 = vector.shape_cast %get3A_933 : vector<1x1x16xf32> to vector<16xf32>
        %add3A_935 = arith.addf %scan3A_875, %get3A_934 : vector<16xf32>
        %get3A_936 = arith.constant 0 : i32
        %get3A_937 = arith.index_cast %get3A_936 : i32 to index
        %get3A_938 = arith.index_cast %add3A_886 : i32 to index
        %get3A_939 = arith.constant 112 : index
        %get3A_940 = tpu.vector_load %arg6[%get3A_937, %get3A_938, %get3A_939] {strides = array<i32>} : memref<2x128x256xf32, #tpu.memory_space<vmem>>, vector<1x1x16xf32>,
        %get3A_941 = vector.shape_cast %get3A_940 : vector<1x1x16xf32> to vector<16xf32>
        %add3A_942 = arith.addf %scan3A_876, %get3A_941 : vector<16xf32>
        %get3A_943 = arith.constant 0 : i32
        %get3A_944 = arith.index_cast %get3A_943 : i32 to index
        %get3A_945 = arith.index_cast %add3A_886 : i32 to index
        %get3A_946 = arith.constant 128 : index
        %get3A_947 = tpu.vector_load %arg6[%get3A_944, %get3A_945, %get3A_946] {strides = array<i32>} : memref<2x128x256xf32, #tpu.memory_space<vmem>>, vector<1x1x16xf32>,
        %get3A_948 = vector.shape_cast %get3A_947 : vector<1x1x16xf32> to vector<16xf32>
        %add3A_949 = arith.addf %scan3A_877, %get3A_948 : vector<16xf32>
        %get3A_950 = arith.constant 0 : i32
        %get3A_951 = arith.index_cast %get3A_950 : i32 to index
        %get3A_952 = arith.index_cast %add3A_886 : i32 to index
        %get3A_953 = arith.constant 144 : index
        %get3A_954 = tpu.vector_load %arg6[%get3A_951, %get3A_952, %get3A_953] {strides = array<i32>} : memref<2x128x256xf32, #tpu.memory_space<vmem>>, vector<1x1x16xf32>,
        %get3A_955 = vector.shape_cast %get3A_954 : vector<1x1x16xf32> to vector<16xf32>
        %add3A_956 = arith.addf %scan3A_878, %get3A_955 : vector<16xf32>
        %get3A_957 = arith.constant 0 : i32
        %get3A_958 = arith.index_cast %get3A_957 : i32 to index
        %get3A_959 = arith.index_cast %add3A_886 : i32 to index
        %get3A_960 = arith.constant 160 : index
        %get3A_961 = tpu.vector_load %arg6[%get3A_958, %get3A_959, %get3A_960] {strides = array<i32>} : memref<2x128x256xf32, #tpu.memory_space<vmem>>, vector<1x1x16xf32>,
        %get3A_962 = vector.shape_cast %get3A_961 : vector<1x1x16xf32> to vector<16xf32>
        %add3A_963 = arith.addf %scan3A_879, %get3A_962 : vector<16xf32>
        %get3A_964 = arith.constant 0 : i32
        %get3A_965 = arith.index_cast %get3A_964 : i32 to index
        %get3A_966 = arith.index_cast %add3A_886 : i32 to index
        %get3A_967 = arith.constant 176 : index
        %get3A_968 = tpu.vector_load %arg6[%get3A_965, %get3A_966, %get3A_967] {strides = array<i32>} : memref<2x128x256xf32, #tpu.memory_space<vmem>>, vector<1x1x16xf32>,
        %get3A_969 = vector.shape_cast %get3A_968 : vector<1x1x16xf32> to vector<16xf32>
        %add3A_970 = arith.addf %scan3A_880, %get3A_969 : vector<16xf32>
        %get3A_971 = arith.constant 0 : i32
        %get3A_972 = arith.index_cast %get3A_971 : i32 to index
        %get3A_973 = arith.index_cast %add3A_886 : i32 to index
        %get3A_974 = arith.constant 192 : index
        %get3A_975 = tpu.vector_load %arg6[%get3A_972, %get3A_973, %get3A_974] {strides = array<i32>} : memref<2x128x256xf32, #tpu.memory_space<vmem>>, vector<1x1x16xf32>,
        %get3A_976 = vector.shape_cast %get3A_975 : vector<1x1x16xf32> to vector<16xf32>
        %add3A_977 = arith.addf %scan3A_881, %get3A_976 : vector<16xf32>
        %get3A_978 = arith.constant 0 : i32
        %get3A_979 = arith.index_cast %get3A_978 : i32 to index
        %get3A_980 = arith.index_cast %add3A_886 : i32 to index
        %get3A_981 = arith.constant 208 : index
        %get3A_982 = tpu.vector_load %arg6[%get3A_979, %get3A_980, %get3A_981] {strides = array<i32>} : memref<2x128x256xf32, #tpu.memory_space<vmem>>, vector<1x1x16xf32>,
        %get3A_983 = vector.shape_cast %get3A_982 : vector<1x1x16xf32> to vector<16xf32>
        %add3A_984 = arith.addf %scan3A_882, %get3A_983 : vector<16xf32>
        %get3A_985 = arith.constant 0 : i32
        %get3A_986 = arith.index_cast %get3A_985 : i32 to index
        %get3A_987 = arith.index_cast %add3A_886 : i32 to index
        %get3A_988 = arith.constant 224 : index
        %get3A_989 = tpu.vector_load %arg6[%get3A_986, %get3A_987, %get3A_988] {strides = array<i32>} : memref<2x128x256xf32, #tpu.memory_space<vmem>>, vector<1x1x16xf32>,
        %get3A_990 = vector.shape_cast %get3A_989 : vector<1x1x16xf32> to vector<16xf32>
        %add3A_991 = arith.addf %scan3A_883, %get3A_990 : vector<16xf32>
        %get3A_992 = arith.constant 0 : i32
        %get3A_993 = arith.index_cast %get3A_992 : i32 to index
        %get3A_994 = arith.index_cast %add3A_886 : i32 to index
        %get3A_995 = arith.constant 240 : index
        %get3A_996 = tpu.vector_load %arg6[%get3A_993, %get3A_994, %get3A_995] {strides = array<i32>} : memref<2x128x256xf32, #tpu.memory_space<vmem>>, vector<1x1x16xf32>,
        %get3A_997 = vector.shape_cast %get3A_996 : vector<1x1x16xf32> to vector<16xf32>
        %add3A_998 = arith.addf %scan3A_884, %get3A_997 : vector<16xf32>
        scf.yield %add3A_893, %add3A_900, %add3A_907, %add3A_914, %add3A_921, %add3A_928, %add3A_935, %add3A_942, %add3A_949, %add3A_956, %add3A_963, %add3A_970, %add3A_977, %add3A_984, %add3A_991, %add3A_998 : vector<16xf32>, vector<16xf32>, vector<16xf32>, vector<16xf32>, vector<16xf32>, vector<16xf32>, vector<16xf32>, vector<16xf32>, vector<16xf32>, vector<16xf32>, vector<16xf32>, vector<16xf32>, vector<16xf32>, vector<16xf32>, vector<16xf32>, vector<16xf32>
      }
      %scan3A_155 = arith.constant 49 : i32
      %mul3A_156 = arith.constant 2 : i32
      %mul3A_157 = arith.muli %mul3A_156, %add3A_23 : i32
      %add3A_158 = arith.constant 0 : i32
      %add3A_159 = arith.addi %mul3A_157, %add3A_158 : i32
      %swap3A = arith.index_cast %add3A_159 : i32 to index
      %swap3A_160 = arith.constant 0 : index
      %swap3A_161 = tpu.vector_load %arg7[%swap3A, %swap3A_160] {strides = array<i32>} : memref<128x256xf32, #tpu.memory_space<vmem>>, vector<1x16xf32>,
      %swap3A_162 = vector.shape_cast %swap3A_161 : vector<1x16xf32> to vector<16xf32>
      %swap3A_163 = vector.shape_cast %scan3A_154#0 : vector<16xf32> to vector<1x16xf32>
      tpu.vector_store %arg7[%swap3A, %swap3A_160], %swap3A_163 {strides = array<i32>} : memref<128x256xf32, #tpu.memory_space<vmem>>, vector<1x16xf32>,
      %swap3A_164 = arith.index_cast %add3A_159 : i32 to index
      %swap3A_165 = arith.constant 16 : index
      %swap3A_166 = tpu.vector_load %arg7[%swap3A_164, %swap3A_165] {strides = array<i32>} : memref<128x256xf32, #tpu.memory_space<vmem>>, vector<1x16xf32>,
      %swap3A_167 = vector.shape_cast %swap3A_166 : vector<1x16xf32> to vector<16xf32>
      %swap3A_168 = vector.shape_cast %scan3A_154#1 : vector<16xf32> to vector<1x16xf32>
      tpu.vector_store %arg7[%swap3A_164, %swap3A_165], %swap3A_168 {strides = array<i32>} : memref<128x256xf32, #tpu.memory_space<vmem>>, vector<1x16xf32>,
      %swap3A_169 = arith.index_cast %add3A_159 : i32 to index
      %swap3A_170 = arith.constant 32 : index
      %swap3A_171 = tpu.vector_load %arg7[%swap3A_169, %swap3A_170] {strides = array<i32>} : memref<128x256xf32, #tpu.memory_space<vmem>>, vector<1x16xf32>,
      %swap3A_172 = vector.shape_cast %swap3A_171 : vector<1x16xf32> to vector<16xf32>
      %swap3A_173 = vector.shape_cast %scan3A_154#2 : vector<16xf32> to vector<1x16xf32>
      tpu.vector_store %arg7[%swap3A_169, %swap3A_170], %swap3A_173 {strides = array<i32>} : memref<128x256xf32, #tpu.memory_space<vmem>>, vector<1x16xf32>,
      %swap3A_174 = arith.index_cast %add3A_159 : i32 to index
      %swap3A_175 = arith.constant 48 : index
      %swap3A_176 = tpu.vector_load %arg7[%swap3A_174, %swap3A_175] {strides = array<i32>} : memref<128x256xf32, #tpu.memory_space<vmem>>, vector<1x16xf32>,
      %swap3A_177 = vector.shape_cast %swap3A_176 : vector<1x16xf32> to vector<16xf32>
      %swap3A_178 = vector.shape_cast %scan3A_154#3 : vector<16xf32> to vector<1x16xf32>
      tpu.vector_store %arg7[%swap3A_174, %swap3A_175], %swap3A_178 {strides = array<i32>} : memref<128x256xf32, #tpu.memory_space<vmem>>, vector<1x16xf32>,
      %swap3A_179 = arith.index_cast %add3A_159 : i32 to index
      %swap3A_180 = arith.constant 64 : index
      %swap3A_181 = tpu.vector_load %arg7[%swap3A_179, %swap3A_180] {strides = array<i32>} : memref<128x256xf32, #tpu.memory_space<vmem>>, vector<1x16xf32>,
      %swap3A_182 = vector.shape_cast %swap3A_181 : vector<1x16xf32> to vector<16xf32>
      %swap3A_183 = vector.shape_cast %scan3A_154#4 : vector<16xf32> to vector<1x16xf32>
      tpu.vector_store %arg7[%swap3A_179, %swap3A_180], %swap3A_183 {strides = array<i32>} : memref<128x256xf32, #tpu.memory_space<vmem>>, vector<1x16xf32>,
      %swap3A_184 = arith.index_cast %add3A_159 : i32 to index
      %swap3A_185 = arith.constant 80 : index
      %swap3A_186 = tpu.vector_load %arg7[%swap3A_184, %swap3A_185] {strides = array<i32>} : memref<128x256xf32, #tpu.memory_space<vmem>>, vector<1x16xf32>,
      %swap3A_187 = vector.shape_cast %swap3A_186 : vector<1x16xf32> to vector<16xf32>
      %swap3A_188 = vector.shape_cast %scan3A_154#5 : vector<16xf32> to vector<1x16xf32>
      tpu.vector_store %arg7[%swap3A_184, %swap3A_185], %swap3A_188 {strides = array<i32>} : memref<128x256xf32, #tpu.memory_space<vmem>>, vector<1x16xf32>,
      %swap3A_189 = arith.index_cast %add3A_159 : i32 to index
      %swap3A_190 = arith.constant 96 : index
      %swap3A_191 = tpu.vector_load %arg7[%swap3A_189, %swap3A_190] {strides = array<i32>} : memref<128x256xf32, #tpu.memory_space<vmem>>, vector<1x16xf32>,
      %swap3A_192 = vector.shape_cast %swap3A_191 : vector<1x16xf32> to vector<16xf32>
      %swap3A_193 = vector.shape_cast %scan3A_154#6 : vector<16xf32> to vector<1x16xf32>
      tpu.vector_store %arg7[%swap3A_189, %swap3A_190], %swap3A_193 {strides = array<i32>} : memref<128x256xf32, #tpu.memory_space<vmem>>, vector<1x16xf32>,
      %swap3A_194 = arith.index_cast %add3A_159 : i32 to index
      %swap3A_195 = arith.constant 112 : index
      %swap3A_196 = tpu.vector_load %arg7[%swap3A_194, %swap3A_195] {strides = array<i32>} : memref<128x256xf32, #tpu.memory_space<vmem>>, vector<1x16xf32>,
      %swap3A_197 = vector.shape_cast %swap3A_196 : vector<1x16xf32> to vector<16xf32>
      %swap3A_198 = vector.shape_cast %scan3A_154#7 : vector<16xf32> to vector<1x16xf32>
      tpu.vector_store %arg7[%swap3A_194, %swap3A_195], %swap3A_198 {strides = array<i32>} : memref<128x256xf32, #tpu.memory_space<vmem>>, vector<1x16xf32>,
      %swap3A_199 = arith.index_cast %add3A_159 : i32 to index
      %swap3A_200 = arith.constant 128 : index
      %swap3A_201 = tpu.vector_load %arg7[%swap3A_199, %swap3A_200] {strides = array<i32>} : memref<128x256xf32, #tpu.memory_space<vmem>>, vector<1x16xf32>,
      %swap3A_202 = vector.shape_cast %swap3A_201 : vector<1x16xf32> to vector<16xf32>
      %swap3A_203 = vector.shape_cast %scan3A_154#8 : vector<16xf32> to vector<1x16xf32>
      tpu.vector_store %arg7[%swap3A_199, %swap3A_200], %swap3A_203 {strides = array<i32>} : memref<128x256xf32, #tpu.memory_space<vmem>>, vector<1x16xf32>,
      %swap3A_204 = arith.index_cast %add3A_159 : i32 to index
      %swap3A_205 = arith.constant 144 : index
      %swap3A_206 = tpu.vector_load %arg7[%swap3A_204, %swap3A_205] {strides = array<i32>} : memref<128x256xf32, #tpu.memory_space<vmem>>, vector<1x16xf32>,
      %swap3A_207 = vector.shape_cast %swap3A_206 : vector<1x16xf32> to vector<16xf32>
      %swap3A_208 = vector.shape_cast %scan3A_154#9 : vector<16xf32> to vector<1x16xf32>
      tpu.vector_store %arg7[%swap3A_204, %swap3A_205], %swap3A_208 {strides = array<i32>} : memref<128x256xf32, #tpu.memory_space<vmem>>, vector<1x16xf32>,
      %swap3A_209 = arith.index_cast %add3A_159 : i32 to index
      %swap3A_210 = arith.constant 160 : index
      %swap3A_211 = tpu.vector_load %arg7[%swap3A_209, %swap3A_210] {strides = array<i32>} : memref<128x256xf32, #tpu.memory_space<vmem>>, vector<1x16xf32>,
      %swap3A_212 = vector.shape_cast %swap3A_211 : vector<1x16xf32> to vector<16xf32>
      %swap3A_213 = vector.shape_cast %scan3A_154#10 : vector<16xf32> to vector<1x16xf32>
      tpu.vector_store %arg7[%swap3A_209, %swap3A_210], %swap3A_213 {strides = array<i32>} : memref<128x256xf32, #tpu.memory_space<vmem>>, vector<1x16xf32>,
      %swap3A_214 = arith.index_cast %add3A_159 : i32 to index
      %swap3A_215 = arith.constant 176 : index
      %swap3A_216 = tpu.vector_load %arg7[%swap3A_214, %swap3A_215] {strides = array<i32>} : memref<128x256xf32, #tpu.memory_space<vmem>>, vector<1x16xf32>,
      %swap3A_217 = vector.shape_cast %swap3A_216 : vector<1x16xf32> to vector<16xf32>
      %swap3A_218 = vector.shape_cast %scan3A_154#11 : vector<16xf32> to vector<1x16xf32>
      tpu.vector_store %arg7[%swap3A_214, %swap3A_215], %swap3A_218 {strides = array<i32>} : memref<128x256xf32, #tpu.memory_space<vmem>>, vector<1x16xf32>,
      %swap3A_219 = arith.index_cast %add3A_159 : i32 to index
      %swap3A_220 = arith.constant 192 : index
      %swap3A_221 = tpu.vector_load %arg7[%swap3A_219, %swap3A_220] {strides = array<i32>} : memref<128x256xf32, #tpu.memory_space<vmem>>, vector<1x16xf32>,
      %swap3A_222 = vector.shape_cast %swap3A_221 : vector<1x16xf32> to vector<16xf32>
      %swap3A_223 = vector.shape_cast %scan3A_154#12 : vector<16xf32> to vector<1x16xf32>
      tpu.vector_store %arg7[%swap3A_219, %swap3A_220], %swap3A_223 {strides = array<i32>} : memref<128x256xf32, #tpu.memory_space<vmem>>, vector<1x16xf32>,
      %swap3A_224 = arith.index_cast %add3A_159 : i32 to index
      %swap3A_225 = arith.constant 208 : index
      %swap3A_226 = tpu.vector_load %arg7[%swap3A_224, %swap3A_225] {strides = array<i32>} : memref<128x256xf32, #tpu.memory_space<vmem>>, vector<1x16xf32>,
      %swap3A_227 = vector.shape_cast %swap3A_226 : vector<1x16xf32> to vector<16xf32>
      %swap3A_228 = vector.shape_cast %scan3A_154#13 : vector<16xf32> to vector<1x16xf32>
      tpu.vector_store %arg7[%swap3A_224, %swap3A_225], %swap3A_228 {strides = array<i32>} : memref<128x256xf32, #tpu.memory_space<vmem>>, vector<1x16xf32>,
      %swap3A_229 = arith.index_cast %add3A_159 : i32 to index
      %swap3A_230 = arith.constant 224 : index
      %swap3A_231 = tpu.vector_load %arg7[%swap3A_229, %swap3A_230] {strides = array<i32>} : memref<128x256xf32, #tpu.memory_space<vmem>>, vector<1x16xf32>,
      %swap3A_232 = vector.shape_cast %swap3A_231 : vector<1x16xf32> to vector<16xf32>
      %swap3A_233 = vector.shape_cast %scan3A_154#14 : vector<16xf32> to vector<1x16xf32>
      tpu.vector_store %arg7[%swap3A_229, %swap3A_230], %swap3A_233 {strides = array<i32>} : memref<128x256xf32, #tpu.memory_space<vmem>>, vector<1x16xf32>,
      %swap3A_234 = arith.index_cast %add3A_159 : i32 to index
      %swap3A_235 = arith.constant 240 : index
      %swap3A_236 = tpu.vector_load %arg7[%swap3A_234, %swap3A_235] {strides = array<i32>} : memref<128x256xf32, #tpu.memory_space<vmem>>, vector<1x16xf32>,
      %swap3A_237 = vector.shape_cast %swap3A_236 : vector<1x16xf32> to vector<16xf32>
      %swap3A_238 = vector.shape_cast %scan3A_154#15 : vector<16xf32> to vector<1x16xf32>
      tpu.vector_store %arg7[%swap3A_234, %swap3A_235], %swap3A_238 {strides = array<i32>} : memref<128x256xf32, #tpu.memory_space<vmem>>, vector<1x16xf32>,
      %get3A_239 = arith.constant 0 : i32
      %get3A_240 = arith.constant 50 : i32
      %get3A_241 = arith.index_cast %get3A_239 : i32 to index
      %get3A_242 = arith.index_cast %get3A_240 : i32 to index
      %get3A_243 = arith.constant 0 : index
      %get3A_244 = tpu.vector_load %arg6[%get3A_241, %get3A_242, %get3A_243] {strides = array<i32>} : memref<2x128x256xf32, #tpu.memory_space<vmem>>, vector<1x1x16xf32>,
      %get3A_245 = vector.shape_cast %get3A_244 : vector<1x1x16xf32> to vector<16xf32>
      %get3A_246 = arith.constant 0 : i32
      %get3A_247 = arith.constant 50 : i32
      %get3A_248 = arith.index_cast %get3A_246 : i32 to index
      %get3A_249 = arith.index_cast %get3A_247 : i32 to index
      %get3A_250 = arith.constant 16 : index
      %get3A_251 = tpu.vector_load %arg6[%get3A_248, %get3A_249, %get3A_250] {strides = array<i32>} : memref<2x128x256xf32, #tpu.memory_space<vmem>>, vector<1x1x16xf32>,
      %get3A_252 = vector.shape_cast %get3A_251 : vector<1x1x16xf32> to vector<16xf32>
      %get3A_253 = arith.constant 0 : i32
      %get3A_254 = arith.constant 50 : i32
      %get3A_255 = arith.index_cast %get3A_253 : i32 to index
      %get3A_256 = arith.index_cast %get3A_254 : i32 to index
      %get3A_257 = arith.constant 32 : index
      %get3A_258 = tpu.vector_load %arg6[%get3A_255, %get3A_256, %get3A_257] {strides = array<i32>} : memref<2x128x256xf32, #tpu.memory_space<vmem>>, vector<1x1x16xf32>,
      %get3A_259 = vector.shape_cast %get3A_258 : vector<1x1x16xf32> to vector<16xf32>
      %get3A_260 = arith.constant 0 : i32
      %get3A_261 = arith.constant 50 : i32
      %get3A_262 = arith.index_cast %get3A_260 : i32 to index
      %get3A_263 = arith.index_cast %get3A_261 : i32 to index
      %get3A_264 = arith.constant 48 : index
      %get3A_265 = tpu.vector_load %arg6[%get3A_262, %get3A_263, %get3A_264] {strides = array<i32>} : memref<2x128x256xf32, #tpu.memory_space<vmem>>, vector<1x1x16xf32>,
      %get3A_266 = vector.shape_cast %get3A_265 : vector<1x1x16xf32> to vector<16xf32>
      %get3A_267 = arith.constant 0 : i32
      %get3A_268 = arith.constant 50 : i32
      %get3A_269 = arith.index_cast %get3A_267 : i32 to index
      %get3A_270 = arith.index_cast %get3A_268 : i32 to index
      %get3A_271 = arith.constant 64 : index
      %get3A_272 = tpu.vector_load %arg6[%get3A_269, %get3A_270, %get3A_271] {strides = array<i32>} : memref<2x128x256xf32, #tpu.memory_space<vmem>>, vector<1x1x16xf32>,
      %get3A_273 = vector.shape_cast %get3A_272 : vector<1x1x16xf32> to vector<16xf32>
      %get3A_274 = arith.constant 0 : i32
      %get3A_275 = arith.constant 50 : i32
      %get3A_276 = arith.index_cast %get3A_274 : i32 to index
      %get3A_277 = arith.index_cast %get3A_275 : i32 to index
      %get3A_278 = arith.constant 80 : index
      %get3A_279 = tpu.vector_load %arg6[%get3A_276, %get3A_277, %get3A_278] {strides = array<i32>} : memref<2x128x256xf32, #tpu.memory_space<vmem>>, vector<1x1x16xf32>,
      %get3A_280 = vector.shape_cast %get3A_279 : vector<1x1x16xf32> to vector<16xf32>
      %get3A_281 = arith.constant 0 : i32
      %get3A_282 = arith.constant 50 : i32
      %get3A_283 = arith.index_cast %get3A_281 : i32 to index
      %get3A_284 = arith.index_cast %get3A_282 : i32 to index
      %get3A_285 = arith.constant 96 : index
      %get3A_286 = tpu.vector_load %arg6[%get3A_283, %get3A_284, %get3A_285] {strides = array<i32>} : memref<2x128x256xf32, #tpu.memory_space<vmem>>, vector<1x1x16xf32>,
      %get3A_287 = vector.shape_cast %get3A_286 : vector<1x1x16xf32> to vector<16xf32>
      %get3A_288 = arith.constant 0 : i32
      %get3A_289 = arith.constant 50 : i32
      %get3A_290 = arith.index_cast %get3A_288 : i32 to index
      %get3A_291 = arith.index_cast %get3A_289 : i32 to index
      %get3A_292 = arith.constant 112 : index
      %get3A_293 = tpu.vector_load %arg6[%get3A_290, %get3A_291, %get3A_292] {strides = array<i32>} : memref<2x128x256xf32, #tpu.memory_space<vmem>>, vector<1x1x16xf32>,
      %get3A_294 = vector.shape_cast %get3A_293 : vector<1x1x16xf32> to vector<16xf32>
      %get3A_295 = arith.constant 0 : i32
      %get3A_296 = arith.constant 50 : i32
      %get3A_297 = arith.index_cast %get3A_295 : i32 to index
      %get3A_298 = arith.index_cast %get3A_296 : i32 to index
      %get3A_299 = arith.constant 128 : index
      %get3A_300 = tpu.vector_load %arg6[%get3A_297, %get3A_298, %get3A_299] {strides = array<i32>} : memref<2x128x256xf32, #tpu.memory_space<vmem>>, vector<1x1x16xf32>,
      %get3A_301 = vector.shape_cast %get3A_300 : vector<1x1x16xf32> to vector<16xf32>
      %get3A_302 = arith.constant 0 : i32
      %get3A_303 = arith.constant 50 : i32
      %get3A_304 = arith.index_cast %get3A_302 : i32 to index
      %get3A_305 = arith.index_cast %get3A_303 : i32 to index
      %get3A_306 = arith.constant 144 : index
      %get3A_307 = tpu.vector_load %arg6[%get3A_304, %get3A_305, %get3A_306] {strides = array<i32>} : memref<2x128x256xf32, #tpu.memory_space<vmem>>, vector<1x1x16xf32>,
      %get3A_308 = vector.shape_cast %get3A_307 : vector<1x1x16xf32> to vector<16xf32>
      %get3A_309 = arith.constant 0 : i32
      %get3A_310 = arith.constant 50 : i32
      %get3A_311 = arith.index_cast %get3A_309 : i32 to index
      %get3A_312 = arith.index_cast %get3A_310 : i32 to index
      %get3A_313 = arith.constant 160 : index
      %get3A_314 = tpu.vector_load %arg6[%get3A_311, %get3A_312, %get3A_313] {strides = array<i32>} : memref<2x128x256xf32, #tpu.memory_space<vmem>>, vector<1x1x16xf32>,
      %get3A_315 = vector.shape_cast %get3A_314 : vector<1x1x16xf32> to vector<16xf32>
      %get3A_316 = arith.constant 0 : i32
      %get3A_317 = arith.constant 50 : i32
      %get3A_318 = arith.index_cast %get3A_316 : i32 to index
      %get3A_319 = arith.index_cast %get3A_317 : i32 to index
      %get3A_320 = arith.constant 176 : index
      %get3A_321 = tpu.vector_load %arg6[%get3A_318, %get3A_319, %get3A_320] {strides = array<i32>} : memref<2x128x256xf32, #tpu.memory_space<vmem>>, vector<1x1x16xf32>,
      %get3A_322 = vector.shape_cast %get3A_321 : vector<1x1x16xf32> to vector<16xf32>
      %get3A_323 = arith.constant 0 : i32
      %get3A_324 = arith.constant 50 : i32
      %get3A_325 = arith.index_cast %get3A_323 : i32 to index
      %get3A_326 = arith.index_cast %get3A_324 : i32 to index
      %get3A_327 = arith.constant 192 : index
      %get3A_328 = tpu.vector_load %arg6[%get3A_325, %get3A_326, %get3A_327] {strides = array<i32>} : memref<2x128x256xf32, #tpu.memory_space<vmem>>, vector<1x1x16xf32>,
      %get3A_329 = vector.shape_cast %get3A_328 : vector<1x1x16xf32> to vector<16xf32>
      %get3A_330 = arith.constant 0 : i32
      %get3A_331 = arith.constant 50 : i32
      %get3A_332 = arith.index_cast %get3A_330 : i32 to index
      %get3A_333 = arith.index_cast %get3A_331 : i32 to index
      %get3A_334 = arith.constant 208 : index
      %get3A_335 = tpu.vector_load %arg6[%get3A_332, %get3A_333, %get3A_334] {strides = array<i32>} : memref<2x128x256xf32, #tpu.memory_space<vmem>>, vector<1x1x16xf32>,
      %get3A_336 = vector.shape_cast %get3A_335 : vector<1x1x16xf32> to vector<16xf32>
      %get3A_337 = arith.constant 0 : i32
      %get3A_338 = arith.constant 50 : i32
      %get3A_339 = arith.index_cast %get3A_337 : i32 to index
      %get3A_340 = arith.index_cast %get3A_338 : i32 to index
      %get3A_341 = arith.constant 224 : index
      %get3A_342 = tpu.vector_load %arg6[%get3A_339, %get3A_340, %get3A_341] {strides = array<i32>} : memref<2x128x256xf32, #tpu.memory_space<vmem>>, vector<1x1x16xf32>,
      %get3A_343 = vector.shape_cast %get3A_342 : vector<1x1x16xf32> to vector<16xf32>
      %get3A_344 = arith.constant 0 : i32
      %get3A_345 = arith.constant 50 : i32
      %get3A_346 = arith.index_cast %get3A_344 : i32 to index
      %get3A_347 = arith.index_cast %get3A_345 : i32 to index
      %get3A_348 = arith.constant 240 : index
      %get3A_349 = tpu.vector_load %arg6[%get3A_346, %get3A_347, %get3A_348] {strides = array<i32>} : memref<2x128x256xf32, #tpu.memory_space<vmem>>, vector<1x1x16xf32>,
      %get3A_350 = vector.shape_cast %get3A_349 : vector<1x1x16xf32> to vector<16xf32>
      %scan3A_351 = arith.constant 1 : i32
      %scan3A_352 = arith.constant 49 : i32
      %scan3A_353 = arith.addi %scan3A_351, %scan3A_352 : i32
      %scan3A_354 = arith.constant 1 : i32
      %scan3A_355:16 = scf.for %scan3A_868 = %scan3A_351 to %scan3A_353 step %scan3A_354 iter_args(%scan3A_869 = %get3A_245, %scan3A_870 = %get3A_252, %scan3A_871 = %get3A_259, %scan3A_872 = %get3A_266, %scan3A_873 = %get3A_273, %scan3A_874 = %get3A_280, %scan3A_875 = %get3A_287, %scan3A_876 = %get3A_294, %scan3A_877 = %get3A_301, %scan3A_878 = %get3A_308, %scan3A_879 = %get3A_315, %scan3A_880 = %get3A_322, %scan3A_881 = %get3A_329, %scan3A_882 = %get3A_336, %scan3A_883 = %get3A_343, %scan3A_884 = %get3A_350) -> (vector<16xf32>, vector<16xf32>, vector<16xf32>, vector<16xf32>, vector<16xf32>, vector<16xf32>, vector<16xf32>, vector<16xf32>, vector<16xf32>, vector<16xf32>, vector<16xf32>, vector<16xf32>, vector<16xf32>, vector<16xf32>, vector<16xf32>, vector<16xf32>)  : i32 {
        %add3A_885 = arith.constant 50 : i32
        %add3A_886 = arith.addi %add3A_885, %scan3A_868 : i32
        %get3A_887 = arith.constant 0 : i32
        %get3A_888 = arith.index_cast %get3A_887 : i32 to index
        %get3A_889 = arith.index_cast %add3A_886 : i32 to index
        %get3A_890 = arith.constant 0 : index
        %get3A_891 = tpu.vector_load %arg6[%get3A_888, %get3A_889, %get3A_890] {strides = array<i32>} : memref<2x128x256xf32, #tpu.memory_space<vmem>>, vector<1x1x16xf32>,
        %get3A_892 = vector.shape_cast %get3A_891 : vector<1x1x16xf32> to vector<16xf32>
        %add3A_893 = arith.addf %scan3A_869, %get3A_892 : vector<16xf32>
        %get3A_894 = arith.constant 0 : i32
        %get3A_895 = arith.index_cast %get3A_894 : i32 to index
        %get3A_896 = arith.index_cast %add3A_886 : i32 to index
        %get3A_897 = arith.constant 16 : index
        %get3A_898 = tpu.vector_load %arg6[%get3A_895, %get3A_896, %get3A_897] {strides = array<i32>} : memref<2x128x256xf32, #tpu.memory_space<vmem>>, vector<1x1x16xf32>,
        %get3A_899 = vector.shape_cast %get3A_898 : vector<1x1x16xf32> to vector<16xf32>
        %add3A_900 = arith.addf %scan3A_870, %get3A_899 : vector<16xf32>
        %get3A_901 = arith.constant 0 : i32
        %get3A_902 = arith.index_cast %get3A_901 : i32 to index
        %get3A_903 = arith.index_cast %add3A_886 : i32 to index
        %get3A_904 = arith.constant 32 : index
        %get3A_905 = tpu.vector_load %arg6[%get3A_902, %get3A_903, %get3A_904] {strides = array<i32>} : memref<2x128x256xf32, #tpu.memory_space<vmem>>, vector<1x1x16xf32>,
        %get3A_906 = vector.shape_cast %get3A_905 : vector<1x1x16xf32> to vector<16xf32>
        %add3A_907 = arith.addf %scan3A_871, %get3A_906 : vector<16xf32>
        %get3A_908 = arith.constant 0 : i32
        %get3A_909 = arith.index_cast %get3A_908 : i32 to index
        %get3A_910 = arith.index_cast %add3A_886 : i32 to index
        %get3A_911 = arith.constant 48 : index
        %get3A_912 = tpu.vector_load %arg6[%get3A_909, %get3A_910, %get3A_911] {strides = array<i32>} : memref<2x128x256xf32, #tpu.memory_space<vmem>>, vector<1x1x16xf32>,
        %get3A_913 = vector.shape_cast %get3A_912 : vector<1x1x16xf32> to vector<16xf32>
        %add3A_914 = arith.addf %scan3A_872, %get3A_913 : vector<16xf32>
        %get3A_915 = arith.constant 0 : i32
        %get3A_916 = arith.index_cast %get3A_915 : i32 to index
        %get3A_917 = arith.index_cast %add3A_886 : i32 to index
        %get3A_918 = arith.constant 64 : index
        %get3A_919 = tpu.vector_load %arg6[%get3A_916, %get3A_917, %get3A_918] {strides = array<i32>} : memref<2x128x256xf32, #tpu.memory_space<vmem>>, vector<1x1x16xf32>,
        %get3A_920 = vector.shape_cast %get3A_919 : vector<1x1x16xf32> to vector<16xf32>
        %add3A_921 = arith.addf %scan3A_873, %get3A_920 : vector<16xf32>
        %get3A_922 = arith.constant 0 : i32
        %get3A_923 = arith.index_cast %get3A_922 : i32 to index
        %get3A_924 = arith.index_cast %add3A_886 : i32 to index
        %get3A_925 = arith.constant 80 : index
        %get3A_926 = tpu.vector_load %arg6[%get3A_923, %get3A_924, %get3A_925] {strides = array<i32>} : memref<2x128x256xf32, #tpu.memory_space<vmem>>, vector<1x1x16xf32>,
        %get3A_927 = vector.shape_cast %get3A_926 : vector<1x1x16xf32> to vector<16xf32>
        %add3A_928 = arith.addf %scan3A_874, %get3A_927 : vector<16xf32>
        %get3A_929 = arith.constant 0 : i32
        %get3A_930 = arith.index_cast %get3A_929 : i32 to index
        %get3A_931 = arith.index_cast %add3A_886 : i32 to index
        %get3A_932 = arith.constant 96 : index
        %get3A_933 = tpu.vector_load %arg6[%get3A_930, %get3A_931, %get3A_932] {strides = array<i32>} : memref<2x128x256xf32, #tpu.memory_space<vmem>>, vector<1x1x16xf32>,
        %get3A_934 = vector.shape_cast %get3A_933 : vector<1x1x16xf32> to vector<16xf32>
        %add3A_935 = arith.addf %scan3A_875, %get3A_934 : vector<16xf32>
        %get3A_936 = arith.constant 0 : i32
        %get3A_937 = arith.index_cast %get3A_936 : i32 to index
        %get3A_938 = arith.index_cast %add3A_886 : i32 to index
        %get3A_939 = arith.constant 112 : index
        %get3A_940 = tpu.vector_load %arg6[%get3A_937, %get3A_938, %get3A_939] {strides = array<i32>} : memref<2x128x256xf32, #tpu.memory_space<vmem>>, vector<1x1x16xf32>,
        %get3A_941 = vector.shape_cast %get3A_940 : vector<1x1x16xf32> to vector<16xf32>
        %add3A_942 = arith.addf %scan3A_876, %get3A_941 : vector<16xf32>
        %get3A_943 = arith.constant 0 : i32
        %get3A_944 = arith.index_cast %get3A_943 : i32 to index
        %get3A_945 = arith.index_cast %add3A_886 : i32 to index
        %get3A_946 = arith.constant 128 : index
        %get3A_947 = tpu.vector_load %arg6[%get3A_944, %get3A_945, %get3A_946] {strides = array<i32>} : memref<2x128x256xf32, #tpu.memory_space<vmem>>, vector<1x1x16xf32>,
        %get3A_948 = vector.shape_cast %get3A_947 : vector<1x1x16xf32> to vector<16xf32>
        %add3A_949 = arith.addf %scan3A_877, %get3A_948 : vector<16xf32>
        %get3A_950 = arith.constant 0 : i32
        %get3A_951 = arith.index_cast %get3A_950 : i32 to index
        %get3A_952 = arith.index_cast %add3A_886 : i32 to index
        %get3A_953 = arith.constant 144 : index
        %get3A_954 = tpu.vector_load %arg6[%get3A_951, %get3A_952, %get3A_953] {strides = array<i32>} : memref<2x128x256xf32, #tpu.memory_space<vmem>>, vector<1x1x16xf32>,
        %get3A_955 = vector.shape_cast %get3A_954 : vector<1x1x16xf32> to vector<16xf32>
        %add3A_956 = arith.addf %scan3A_878, %get3A_955 : vector<16xf32>
        %get3A_957 = arith.constant 0 : i32
        %get3A_958 = arith.index_cast %get3A_957 : i32 to index
        %get3A_959 = arith.index_cast %add3A_886 : i32 to index
        %get3A_960 = arith.constant 160 : index
        %get3A_961 = tpu.vector_load %arg6[%get3A_958, %get3A_959, %get3A_960] {strides = array<i32>} : memref<2x128x256xf32, #tpu.memory_space<vmem>>, vector<1x1x16xf32>,
        %get3A_962 = vector.shape_cast %get3A_961 : vector<1x1x16xf32> to vector<16xf32>
        %add3A_963 = arith.addf %scan3A_879, %get3A_962 : vector<16xf32>
        %get3A_964 = arith.constant 0 : i32
        %get3A_965 = arith.index_cast %get3A_964 : i32 to index
        %get3A_966 = arith.index_cast %add3A_886 : i32 to index
        %get3A_967 = arith.constant 176 : index
        %get3A_968 = tpu.vector_load %arg6[%get3A_965, %get3A_966, %get3A_967] {strides = array<i32>} : memref<2x128x256xf32, #tpu.memory_space<vmem>>, vector<1x1x16xf32>,
        %get3A_969 = vector.shape_cast %get3A_968 : vector<1x1x16xf32> to vector<16xf32>
        %add3A_970 = arith.addf %scan3A_880, %get3A_969 : vector<16xf32>
        %get3A_971 = arith.constant 0 : i32
        %get3A_972 = arith.index_cast %get3A_971 : i32 to index
        %get3A_973 = arith.index_cast %add3A_886 : i32 to index
        %get3A_974 = arith.constant 192 : index
        %get3A_975 = tpu.vector_load %arg6[%get3A_972, %get3A_973, %get3A_974] {strides = array<i32>} : memref<2x128x256xf32, #tpu.memory_space<vmem>>, vector<1x1x16xf32>,
        %get3A_976 = vector.shape_cast %get3A_975 : vector<1x1x16xf32> to vector<16xf32>
        %add3A_977 = arith.addf %scan3A_881, %get3A_976 : vector<16xf32>
        %get3A_978 = arith.constant 0 : i32
        %get3A_979 = arith.index_cast %get3A_978 : i32 to index
        %get3A_980 = arith.index_cast %add3A_886 : i32 to index
        %get3A_981 = arith.constant 208 : index
        %get3A_982 = tpu.vector_load %arg6[%get3A_979, %get3A_980, %get3A_981] {strides = array<i32>} : memref<2x128x256xf32, #tpu.memory_space<vmem>>, vector<1x1x16xf32>,
        %get3A_983 = vector.shape_cast %get3A_982 : vector<1x1x16xf32> to vector<16xf32>
        %add3A_984 = arith.addf %scan3A_882, %get3A_983 : vector<16xf32>
        %get3A_985 = arith.constant 0 : i32
        %get3A_986 = arith.index_cast %get3A_985 : i32 to index
        %get3A_987 = arith.index_cast %add3A_886 : i32 to index
        %get3A_988 = arith.constant 224 : index
        %get3A_989 = tpu.vector_load %arg6[%get3A_986, %get3A_987, %get3A_988] {strides = array<i32>} : memref<2x128x256xf32, #tpu.memory_space<vmem>>, vector<1x1x16xf32>,
        %get3A_990 = vector.shape_cast %get3A_989 : vector<1x1x16xf32> to vector<16xf32>
        %add3A_991 = arith.addf %scan3A_883, %get3A_990 : vector<16xf32>
        %get3A_992 = arith.constant 0 : i32
        %get3A_993 = arith.index_cast %get3A_992 : i32 to index
        %get3A_994 = arith.index_cast %add3A_886 : i32 to index
        %get3A_995 = arith.constant 240 : index
        %get3A_996 = tpu.vector_load %arg6[%get3A_993, %get3A_994, %get3A_995] {strides = array<i32>} : memref<2x128x256xf32, #tpu.memory_space<vmem>>, vector<1x1x16xf32>,
        %get3A_997 = vector.shape_cast %get3A_996 : vector<1x1x16xf32> to vector<16xf32>
        %add3A_998 = arith.addf %scan3A_884, %get3A_997 : vector<16xf32>
        scf.yield %add3A_893, %add3A_900, %add3A_907, %add3A_914, %add3A_921, %add3A_928, %add3A_935, %add3A_942, %add3A_949, %add3A_956, %add3A_963, %add3A_970, %add3A_977, %add3A_984, %add3A_991, %add3A_998 : vector<16xf32>, vector<16xf32>, vector<16xf32>, vector<16xf32>, vector<16xf32>, vector<16xf32>, vector<16xf32>, vector<16xf32>, vector<16xf32>, vector<16xf32>, vector<16xf32>, vector<16xf32>, vector<16xf32>, vector<16xf32>, vector<16xf32>, vector<16xf32>
      }
      %scan3A_356 = arith.constant 49 : i32
      %mul3A_357 = arith.constant 2 : i32
      %mul3A_358 = arith.muli %mul3A_357, %add3A_23 : i32
      %add3A_359 = arith.constant 1 : i32
      %add3A_360 = arith.addi %mul3A_358, %add3A_359 : i32
      %swap3A_361 = arith.index_cast %add3A_360 : i32 to index
      %swap3A_362 = arith.constant 0 : index
      %swap3A_363 = tpu.vector_load %arg7[%swap3A_361, %swap3A_362] {strides = array<i32>} : memref<128x256xf32, #tpu.memory_space<vmem>>, vector<1x16xf32>,
      %swap3A_364 = vector.shape_cast %swap3A_363 : vector<1x16xf32> to vector<16xf32>
      %swap3A_365 = vector.shape_cast %scan3A_355#0 : vector<16xf32> to vector<1x16xf32>
      tpu.vector_store %arg7[%swap3A_361, %swap3A_362], %swap3A_365 {strides = array<i32>} : memref<128x256xf32, #tpu.memory_space<vmem>>, vector<1x16xf32>,
      %swap3A_366 = arith.index_cast %add3A_360 : i32 to index
      %swap3A_367 = arith.constant 16 : index
      %swap3A_368 = tpu.vector_load %arg7[%swap3A_366, %swap3A_367] {strides = array<i32>} : memref<128x256xf32, #tpu.memory_space<vmem>>, vector<1x16xf32>,
      %swap3A_369 = vector.shape_cast %swap3A_368 : vector<1x16xf32> to vector<16xf32>
      %swap3A_370 = vector.shape_cast %scan3A_355#1 : vector<16xf32> to vector<1x16xf32>
      tpu.vector_store %arg7[%swap3A_366, %swap3A_367], %swap3A_370 {strides = array<i32>} : memref<128x256xf32, #tpu.memory_space<vmem>>, vector<1x16xf32>,
      %swap3A_371 = arith.index_cast %add3A_360 : i32 to index
      %swap3A_372 = arith.constant 32 : index
      %swap3A_373 = tpu.vector_load %arg7[%swap3A_371, %swap3A_372] {strides = array<i32>} : memref<128x256xf32, #tpu.memory_space<vmem>>, vector<1x16xf32>,
      %swap3A_374 = vector.shape_cast %swap3A_373 : vector<1x16xf32> to vector<16xf32>
      %swap3A_375 = vector.shape_cast %scan3A_355#2 : vector<16xf32> to vector<1x16xf32>
      tpu.vector_store %arg7[%swap3A_371, %swap3A_372], %swap3A_375 {strides = array<i32>} : memref<128x256xf32, #tpu.memory_space<vmem>>, vector<1x16xf32>,
      %swap3A_376 = arith.index_cast %add3A_360 : i32 to index
      %swap3A_377 = arith.constant 48 : index
      %swap3A_378 = tpu.vector_load %arg7[%swap3A_376, %swap3A_377] {strides = array<i32>} : memref<128x256xf32, #tpu.memory_space<vmem>>, vector<1x16xf32>,
      %swap3A_379 = vector.shape_cast %swap3A_378 : vector<1x16xf32> to vector<16xf32>
      %swap3A_380 = vector.shape_cast %scan3A_355#3 : vector<16xf32> to vector<1x16xf32>
      tpu.vector_store %arg7[%swap3A_376, %swap3A_377], %swap3A_380 {strides = array<i32>} : memref<128x256xf32, #tpu.memory_space<vmem>>, vector<1x16xf32>,
      %swap3A_381 = arith.index_cast %add3A_360 : i32 to index
      %swap3A_382 = arith.constant 64 : index
      %swap3A_383 = tpu.vector_load %arg7[%swap3A_381, %swap3A_382] {strides = array<i32>} : memref<128x256xf32, #tpu.memory_space<vmem>>, vector<1x16xf32>,
      %swap3A_384 = vector.shape_cast %swap3A_383 : vector<1x16xf32> to vector<16xf32>
      %swap3A_385 = vector.shape_cast %scan3A_355#4 : vector<16xf32> to vector<1x16xf32>
      tpu.vector_store %arg7[%swap3A_381, %swap3A_382], %swap3A_385 {strides = array<i32>} : memref<128x256xf32, #tpu.memory_space<vmem>>, vector<1x16xf32>,
      %swap3A_386 = arith.index_cast %add3A_360 : i32 to index
      %swap3A_387 = arith.constant 80 : index
      %swap3A_388 = tpu.vector_load %arg7[%swap3A_386, %swap3A_387] {strides = array<i32>} : memref<128x256xf32, #tpu.memory_space<vmem>>, vector<1x16xf32>,
      %swap3A_389 = vector.shape_cast %swap3A_388 : vector<1x16xf32> to vector<16xf32>
      %swap3A_390 = vector.shape_cast %scan3A_355#5 : vector<16xf32> to vector<1x16xf32>
      tpu.vector_store %arg7[%swap3A_386, %swap3A_387], %swap3A_390 {strides = array<i32>} : memref<128x256xf32, #tpu.memory_space<vmem>>, vector<1x16xf32>,
      %swap3A_391 = arith.index_cast %add3A_360 : i32 to index
      %swap3A_392 = arith.constant 96 : index
      %swap3A_393 = tpu.vector_load %arg7[%swap3A_391, %swap3A_392] {strides = array<i32>} : memref<128x256xf32, #tpu.memory_space<vmem>>, vector<1x16xf32>,
      %swap3A_394 = vector.shape_cast %swap3A_393 : vector<1x16xf32> to vector<16xf32>
      %swap3A_395 = vector.shape_cast %scan3A_355#6 : vector<16xf32> to vector<1x16xf32>
      tpu.vector_store %arg7[%swap3A_391, %swap3A_392], %swap3A_395 {strides = array<i32>} : memref<128x256xf32, #tpu.memory_space<vmem>>, vector<1x16xf32>,
      %swap3A_396 = arith.index_cast %add3A_360 : i32 to index
      %swap3A_397 = arith.constant 112 : index
      %swap3A_398 = tpu.vector_load %arg7[%swap3A_396, %swap3A_397] {strides = array<i32>} : memref<128x256xf32, #tpu.memory_space<vmem>>, vector<1x16xf32>,
      %swap3A_399 = vector.shape_cast %swap3A_398 : vector<1x16xf32> to vector<16xf32>
      %swap3A_400 = vector.shape_cast %scan3A_355#7 : vector<16xf32> to vector<1x16xf32>
      tpu.vector_store %arg7[%swap3A_396, %swap3A_397], %swap3A_400 {strides = array<i32>} : memref<128x256xf32, #tpu.memory_space<vmem>>, vector<1x16xf32>,
      %swap3A_401 = arith.index_cast %add3A_360 : i32 to index
      %swap3A_402 = arith.constant 128 : index
      %swap3A_403 = tpu.vector_load %arg7[%swap3A_401, %swap3A_402] {strides = array<i32>} : memref<128x256xf32, #tpu.memory_space<vmem>>, vector<1x16xf32>,
      %swap3A_404 = vector.shape_cast %swap3A_403 : vector<1x16xf32> to vector<16xf32>
      %swap3A_405 = vector.shape_cast %scan3A_355#8 : vector<16xf32> to vector<1x16xf32>
      tpu.vector_store %arg7[%swap3A_401, %swap3A_402], %swap3A_405 {strides = array<i32>} : memref<128x256xf32, #tpu.memory_space<vmem>>, vector<1x16xf32>,
      %swap3A_406 = arith.index_cast %add3A_360 : i32 to index
      %swap3A_407 = arith.constant 144 : index
      %swap3A_408 = tpu.vector_load %arg7[%swap3A_406, %swap3A_407] {strides = array<i32>} : memref<128x256xf32, #tpu.memory_space<vmem>>, vector<1x16xf32>,
      %swap3A_409 = vector.shape_cast %swap3A_408 : vector<1x16xf32> to vector<16xf32>
      %swap3A_410 = vector.shape_cast %scan3A_355#9 : vector<16xf32> to vector<1x16xf32>
      tpu.vector_store %arg7[%swap3A_406, %swap3A_407], %swap3A_410 {strides = array<i32>} : memref<128x256xf32, #tpu.memory_space<vmem>>, vector<1x16xf32>,
      %swap3A_411 = arith.index_cast %add3A_360 : i32 to index
      %swap3A_412 = arith.constant 160 : index
      %swap3A_413 = tpu.vector_load %arg7[%swap3A_411, %swap3A_412] {strides = array<i32>} : memref<128x256xf32, #tpu.memory_space<vmem>>, vector<1x16xf32>,
      %swap3A_414 = vector.shape_cast %swap3A_413 : vector<1x16xf32> to vector<16xf32>
      %swap3A_415 = vector.shape_cast %scan3A_355#10 : vector<16xf32> to vector<1x16xf32>
      tpu.vector_store %arg7[%swap3A_411, %swap3A_412], %swap3A_415 {strides = array<i32>} : memref<128x256xf32, #tpu.memory_space<vmem>>, vector<1x16xf32>,
      %swap3A_416 = arith.index_cast %add3A_360 : i32 to index
      %swap3A_417 = arith.constant 176 : index
      %swap3A_418 = tpu.vector_load %arg7[%swap3A_416, %swap3A_417] {strides = array<i32>} : memref<128x256xf32, #tpu.memory_space<vmem>>, vector<1x16xf32>,
      %swap3A_419 = vector.shape_cast %swap3A_418 : vector<1x16xf32> to vector<16xf32>
      %swap3A_420 = vector.shape_cast %scan3A_355#11 : vector<16xf32> to vector<1x16xf32>
      tpu.vector_store %arg7[%swap3A_416, %swap3A_417], %swap3A_420 {strides = array<i32>} : memref<128x256xf32, #tpu.memory_space<vmem>>, vector<1x16xf32>,
      %swap3A_421 = arith.index_cast %add3A_360 : i32 to index
      %swap3A_422 = arith.constant 192 : index
      %swap3A_423 = tpu.vector_load %arg7[%swap3A_421, %swap3A_422] {strides = array<i32>} : memref<128x256xf32, #tpu.memory_space<vmem>>, vector<1x16xf32>,
      %swap3A_424 = vector.shape_cast %swap3A_423 : vector<1x16xf32> to vector<16xf32>
      %swap3A_425 = vector.shape_cast %scan3A_355#12 : vector<16xf32> to vector<1x16xf32>
      tpu.vector_store %arg7[%swap3A_421, %swap3A_422], %swap3A_425 {strides = array<i32>} : memref<128x256xf32, #tpu.memory_space<vmem>>, vector<1x16xf32>,
      %swap3A_426 = arith.index_cast %add3A_360 : i32 to index
      %swap3A_427 = arith.constant 208 : index
      %swap3A_428 = tpu.vector_load %arg7[%swap3A_426, %swap3A_427] {strides = array<i32>} : memref<128x256xf32, #tpu.memory_space<vmem>>, vector<1x16xf32>,
      %swap3A_429 = vector.shape_cast %swap3A_428 : vector<1x16xf32> to vector<16xf32>
      %swap3A_430 = vector.shape_cast %scan3A_355#13 : vector<16xf32> to vector<1x16xf32>
      tpu.vector_store %arg7[%swap3A_426, %swap3A_427], %swap3A_430 {strides = array<i32>} : memref<128x256xf32, #tpu.memory_space<vmem>>, vector<1x16xf32>,
      %swap3A_431 = arith.index_cast %add3A_360 : i32 to index
      %swap3A_432 = arith.constant 224 : index
      %swap3A_433 = tpu.vector_load %arg7[%swap3A_431, %swap3A_432] {strides = array<i32>} : memref<128x256xf32, #tpu.memory_space<vmem>>, vector<1x16xf32>,
      %swap3A_434 = vector.shape_cast %swap3A_433 : vector<1x16xf32> to vector<16xf32>
      %swap3A_435 = vector.shape_cast %scan3A_355#14 : vector<16xf32> to vector<1x16xf32>
      tpu.vector_store %arg7[%swap3A_431, %swap3A_432], %swap3A_435 {strides = array<i32>} : memref<128x256xf32, #tpu.memory_space<vmem>>, vector<1x16xf32>,
      %swap3A_436 = arith.index_cast %add3A_360 : i32 to index
      %swap3A_437 = arith.constant 240 : index
      %swap3A_438 = tpu.vector_load %arg7[%swap3A_436, %swap3A_437] {strides = array<i32>} : memref<128x256xf32, #tpu.memory_space<vmem>>, vector<1x16xf32>,
      %swap3A_439 = vector.shape_cast %swap3A_438 : vector<1x16xf32> to vector<16xf32>
      %swap3A_440 = vector.shape_cast %scan3A_355#15 : vector<16xf32> to vector<1x16xf32>
      tpu.vector_store %arg7[%swap3A_436, %swap3A_437], %swap3A_440 {strides = array<i32>} : memref<128x256xf32, #tpu.memory_space<vmem>>, vector<1x16xf32>,
      %mul3A_441 = arith.constant 2 : i32
      %mul3A_442 = arith.muli %mul3A_441, %scan3A_19 : i32
      %add3A_443 = arith.constant 1 : i32
      %add3A_444 = arith.addi %mul3A_442, %add3A_443 : i32
      %add3A_445 = arith.constant 1 : i32
      %add3A_446 = arith.addi %add3A_444, %add3A_445 : i32
      %lt3A_447 = arith.constant 64 : i32
      %lt3A_448 = arith.cmpi slt, %add3A_446, %lt3A_447 : i32
      %convert_element_type3A_449 = arith.extui %lt3A_448 : i1 to i32
      %cond3A_450 = arith.constant 0 : i32
      %cond3A_451 = arith.cmpi ne, %convert_element_type3A_449, %cond3A_450 : i32
      scf.if %cond3A_451 {
        %add3A_868 = arith.constant 1 : i32
        %add3A_869 = arith.addi %add3A_444, %add3A_868 : i32
        %dma_start3A_870 = arith.constant 0 : i32
        %dma_start3A_871 = arith.constant 0 : i32
        %dma_start3A_872 = arith.constant 0 : i32
        %dma_start3A_873 = tpu.memref_slice %arg6[%dma_start3A_870, %dma_start3A_871, %dma_start3A_872] : memref<2x128x256xf32, #tpu.memory_space<vmem>> -> memref<1x104x256xf32, #tpu.memory_space<vmem>>
        %dma_start3A_874 = tpu.memref_squeeze %dma_start3A_873 : memref<1x104x256xf32, #tpu.memory_space<vmem>> -> memref<104x256xf32, #tpu.memory_space<vmem>>
        %dma_start3A_875 = arith.constant 0 : i32
        %dma_start3A_876 = tpu.memref_slice %arg5[%add3A_869, %dma_start3A_875] : memref<64x104xi32, #tpu.memory_space<vmem>> -> memref<1x104xi32, #tpu.memory_space<vmem>>
        %dma_start3A_877 = tpu.memref_squeeze %dma_start3A_876 : memref<1x104xi32, #tpu.memory_space<vmem>> -> memref<104xi32, #tpu.memory_space<vmem>>
        %dma_start3A_878 = arith.constant 0 : i32
        %dma_start3A_879 = arith.constant 0 : i32
        %dma_start3A_880 = tpu.memref_slice %arg2[%dma_start3A_878, %dma_start3A_879] : memref<100000x256xf32, #tpu.memory_space<hbm>> -> memref<100000x256xf32, #tpu.memory_space<hbm>>
        tpu.enqueue_indirect_dma source(%dma_start3A_880 : memref<100000x256xf32, #tpu.memory_space<hbm>>) target(%dma_start3A_874 : memref<104x256xf32, #tpu.memory_space<vmem>>) offsets(%dma_start3A_877 : memref<104xi32, #tpu.memory_space<vmem>>) semaphore(%arg8 : memref<!tpu.dma_semaphore, #tpu.memory_space<semaphore_mem>>)
      } else {
      }
      %dma_wait3A_452 = arith.constant 0 : i32
      %dma_wait3A_453 = arith.constant 1 : i32
      %dma_wait3A_454 = arith.constant 0 : i32
      %dma_wait3A_455 = arith.constant 0 : i32
      %dma_wait3A_456 = tpu.memref_slice %arg6[%dma_wait3A_453, %dma_wait3A_454, %dma_wait3A_455] : memref<2x128x256xf32, #tpu.memory_space<vmem>> -> memref<1x104x256xf32, #tpu.memory_space<vmem>>
      %dma_wait3A_457 = tpu.memref_squeeze %dma_wait3A_456 : memref<1x104x256xf32, #tpu.memory_space<vmem>> -> memref<104x256xf32, #tpu.memory_space<vmem>>
      %dma_wait3A_458 = arith.constant 0 : i32
      %dma_wait3A_459 = tpu.memref_slice %arg5[%dma_wait3A_452, %dma_wait3A_458] : memref<64x104xi32, #tpu.memory_space<vmem>> -> memref<1x104xi32, #tpu.memory_space<vmem>>
      %dma_wait3A_460 = tpu.memref_squeeze %dma_wait3A_459 : memref<1x104xi32, #tpu.memory_space<vmem>> -> memref<104xi32, #tpu.memory_space<vmem>>
      %dma_wait3A_461 = arith.constant 0 : i32
      %dma_wait3A_462 = arith.constant 0 : i32
      %dma_wait3A_463 = tpu.memref_slice %arg2[%dma_wait3A_461, %dma_wait3A_462] : memref<100000x256xf32, #tpu.memory_space<hbm>> -> memref<100000x256xf32, #tpu.memory_space<hbm>>
      tpu.wait_indirect_dma semaphore(%arg9 : memref<!tpu.dma_semaphore, #tpu.memory_space<semaphore_mem>>) src(%dma_wait3A_463 : memref<100000x256xf32, #tpu.memory_space<hbm>>) dst(%dma_wait3A_457 : memref<104x256xf32, #tpu.memory_space<vmem>>)
      %get3A_464 = arith.constant 1 : i32
      %get3A_465 = arith.constant 0 : i32
      %get3A_466 = arith.index_cast %get3A_464 : i32 to index
      %get3A_467 = arith.index_cast %get3A_465 : i32 to index
      %get3A_468 = arith.constant 0 : index
      %get3A_469 = tpu.vector_load %arg6[%get3A_466, %get3A_467, %get3A_468] {strides = array<i32>} : memref<2x128x256xf32, #tpu.memory_space<vmem>>, vector<1x1x16xf32>,
      %get3A_470 = vector.shape_cast %get3A_469 : vector<1x1x16xf32> to vector<16xf32>
      %get3A_471 = arith.constant 1 : i32
      %get3A_472 = arith.constant 0 : i32
      %get3A_473 = arith.index_cast %get3A_471 : i32 to index
      %get3A_474 = arith.index_cast %get3A_472 : i32 to index
      %get3A_475 = arith.constant 16 : index
      %get3A_476 = tpu.vector_load %arg6[%get3A_473, %get3A_474, %get3A_475] {strides = array<i32>} : memref<2x128x256xf32, #tpu.memory_space<vmem>>, vector<1x1x16xf32>,
      %get3A_477 = vector.shape_cast %get3A_476 : vector<1x1x16xf32> to vector<16xf32>
      %get3A_478 = arith.constant 1 : i32
      %get3A_479 = arith.constant 0 : i32
      %get3A_480 = arith.index_cast %get3A_478 : i32 to index
      %get3A_481 = arith.index_cast %get3A_479 : i32 to index
      %get3A_482 = arith.constant 32 : index
      %get3A_483 = tpu.vector_load %arg6[%get3A_480, %get3A_481, %get3A_482] {strides = array<i32>} : memref<2x128x256xf32, #tpu.memory_space<vmem>>, vector<1x1x16xf32>,
      %get3A_484 = vector.shape_cast %get3A_483 : vector<1x1x16xf32> to vector<16xf32>
      %get3A_485 = arith.constant 1 : i32
      %get3A_486 = arith.constant 0 : i32
      %get3A_487 = arith.index_cast %get3A_485 : i32 to index
      %get3A_488 = arith.index_cast %get3A_486 : i32 to index
      %get3A_489 = arith.constant 48 : index
      %get3A_490 = tpu.vector_load %arg6[%get3A_487, %get3A_488, %get3A_489] {strides = array<i32>} : memref<2x128x256xf32, #tpu.memory_space<vmem>>, vector<1x1x16xf32>,
      %get3A_491 = vector.shape_cast %get3A_490 : vector<1x1x16xf32> to vector<16xf32>
      %get3A_492 = arith.constant 1 : i32
      %get3A_493 = arith.constant 0 : i32
      %get3A_494 = arith.index_cast %get3A_492 : i32 to index
      %get3A_495 = arith.index_cast %get3A_493 : i32 to index
      %get3A_496 = arith.constant 64 : index
      %get3A_497 = tpu.vector_load %arg6[%get3A_494, %get3A_495, %get3A_496] {strides = array<i32>} : memref<2x128x256xf32, #tpu.memory_space<vmem>>, vector<1x1x16xf32>,
      %get3A_498 = vector.shape_cast %get3A_497 : vector<1x1x16xf32> to vector<16xf32>
      %get3A_499 = arith.constant 1 : i32
      %get3A_500 = arith.constant 0 : i32
      %get3A_501 = arith.index_cast %get3A_499 : i32 to index
      %get3A_502 = arith.index_cast %get3A_500 : i32 to index
      %get3A_503 = arith.constant 80 : index
      %get3A_504 = tpu.vector_load %arg6[%get3A_501, %get3A_502, %get3A_503] {strides = array<i32>} : memref<2x128x256xf32, #tpu.memory_space<vmem>>, vector<1x1x16xf32>,
      %get3A_505 = vector.shape_cast %get3A_504 : vector<1x1x16xf32> to vector<16xf32>
      %get3A_506 = arith.constant 1 : i32
      %get3A_507 = arith.constant 0 : i32
      %get3A_508 = arith.index_cast %get3A_506 : i32 to index
      %get3A_509 = arith.index_cast %get3A_507 : i32 to index
      %get3A_510 = arith.constant 96 : index
      %get3A_511 = tpu.vector_load %arg6[%get3A_508, %get3A_509, %get3A_510] {strides = array<i32>} : memref<2x128x256xf32, #tpu.memory_space<vmem>>, vector<1x1x16xf32>,
      %get3A_512 = vector.shape_cast %get3A_511 : vector<1x1x16xf32> to vector<16xf32>
      %get3A_513 = arith.constant 1 : i32
      %get3A_514 = arith.constant 0 : i32
      %get3A_515 = arith.index_cast %get3A_513 : i32 to index
      %get3A_516 = arith.index_cast %get3A_514 : i32 to index
      %get3A_517 = arith.constant 112 : index
      %get3A_518 = tpu.vector_load %arg6[%get3A_515, %get3A_516, %get3A_517] {strides = array<i32>} : memref<2x128x256xf32, #tpu.memory_space<vmem>>, vector<1x1x16xf32>,
      %get3A_519 = vector.shape_cast %get3A_518 : vector<1x1x16xf32> to vector<16xf32>
      %get3A_520 = arith.constant 1 : i32
      %get3A_521 = arith.constant 0 : i32
      %get3A_522 = arith.index_cast %get3A_520 : i32 to index
      %get3A_523 = arith.index_cast %get3A_521 : i32 to index
      %get3A_524 = arith.constant 128 : index
      %get3A_525 = tpu.vector_load %arg6[%get3A_522, %get3A_523, %get3A_524] {strides = array<i32>} : memref<2x128x256xf32, #tpu.memory_space<vmem>>, vector<1x1x16xf32>,
      %get3A_526 = vector.shape_cast %get3A_525 : vector<1x1x16xf32> to vector<16xf32>
      %get3A_527 = arith.constant 1 : i32
      %get3A_528 = arith.constant 0 : i32
      %get3A_529 = arith.index_cast %get3A_527 : i32 to index
      %get3A_530 = arith.index_cast %get3A_528 : i32 to index
      %get3A_531 = arith.constant 144 : index
      %get3A_532 = tpu.vector_load %arg6[%get3A_529, %get3A_530, %get3A_531] {strides = array<i32>} : memref<2x128x256xf32, #tpu.memory_space<vmem>>, vector<1x1x16xf32>,
      %get3A_533 = vector.shape_cast %get3A_532 : vector<1x1x16xf32> to vector<16xf32>
      %get3A_534 = arith.constant 1 : i32
      %get3A_535 = arith.constant 0 : i32
      %get3A_536 = arith.index_cast %get3A_534 : i32 to index
      %get3A_537 = arith.index_cast %get3A_535 : i32 to index
      %get3A_538 = arith.constant 160 : index
      %get3A_539 = tpu.vector_load %arg6[%get3A_536, %get3A_537, %get3A_538] {strides = array<i32>} : memref<2x128x256xf32, #tpu.memory_space<vmem>>, vector<1x1x16xf32>,
      %get3A_540 = vector.shape_cast %get3A_539 : vector<1x1x16xf32> to vector<16xf32>
      %get3A_541 = arith.constant 1 : i32
      %get3A_542 = arith.constant 0 : i32
      %get3A_543 = arith.index_cast %get3A_541 : i32 to index
      %get3A_544 = arith.index_cast %get3A_542 : i32 to index
      %get3A_545 = arith.constant 176 : index
      %get3A_546 = tpu.vector_load %arg6[%get3A_543, %get3A_544, %get3A_545] {strides = array<i32>} : memref<2x128x256xf32, #tpu.memory_space<vmem>>, vector<1x1x16xf32>,
      %get3A_547 = vector.shape_cast %get3A_546 : vector<1x1x16xf32> to vector<16xf32>
      %get3A_548 = arith.constant 1 : i32
      %get3A_549 = arith.constant 0 : i32
      %get3A_550 = arith.index_cast %get3A_548 : i32 to index
      %get3A_551 = arith.index_cast %get3A_549 : i32 to index
      %get3A_552 = arith.constant 192 : index
      %get3A_553 = tpu.vector_load %arg6[%get3A_550, %get3A_551, %get3A_552] {strides = array<i32>} : memref<2x128x256xf32, #tpu.memory_space<vmem>>, vector<1x1x16xf32>,
      %get3A_554 = vector.shape_cast %get3A_553 : vector<1x1x16xf32> to vector<16xf32>
      %get3A_555 = arith.constant 1 : i32
      %get3A_556 = arith.constant 0 : i32
      %get3A_557 = arith.index_cast %get3A_555 : i32 to index
      %get3A_558 = arith.index_cast %get3A_556 : i32 to index
      %get3A_559 = arith.constant 208 : index
      %get3A_560 = tpu.vector_load %arg6[%get3A_557, %get3A_558, %get3A_559] {strides = array<i32>} : memref<2x128x256xf32, #tpu.memory_space<vmem>>, vector<1x1x16xf32>,
      %get3A_561 = vector.shape_cast %get3A_560 : vector<1x1x16xf32> to vector<16xf32>
      %get3A_562 = arith.constant 1 : i32
      %get3A_563 = arith.constant 0 : i32
      %get3A_564 = arith.index_cast %get3A_562 : i32 to index
      %get3A_565 = arith.index_cast %get3A_563 : i32 to index
      %get3A_566 = arith.constant 224 : index
      %get3A_567 = tpu.vector_load %arg6[%get3A_564, %get3A_565, %get3A_566] {strides = array<i32>} : memref<2x128x256xf32, #tpu.memory_space<vmem>>, vector<1x1x16xf32>,
      %get3A_568 = vector.shape_cast %get3A_567 : vector<1x1x16xf32> to vector<16xf32>
      %get3A_569 = arith.constant 1 : i32
      %get3A_570 = arith.constant 0 : i32
      %get3A_571 = arith.index_cast %get3A_569 : i32 to index
      %get3A_572 = arith.index_cast %get3A_570 : i32 to index
      %get3A_573 = arith.constant 240 : index
      %get3A_574 = tpu.vector_load %arg6[%get3A_571, %get3A_572, %get3A_573] {strides = array<i32>} : memref<2x128x256xf32, #tpu.memory_space<vmem>>, vector<1x1x16xf32>,
      %get3A_575 = vector.shape_cast %get3A_574 : vector<1x1x16xf32> to vector<16xf32>
      %scan3A_576 = arith.constant 1 : i32
      %scan3A_577 = arith.constant 49 : i32
      %scan3A_578 = arith.addi %scan3A_576, %scan3A_577 : i32
      %scan3A_579 = arith.constant 1 : i32
      %scan3A_580:16 = scf.for %scan3A_868 = %scan3A_576 to %scan3A_578 step %scan3A_579 iter_args(%scan3A_869 = %get3A_470, %scan3A_870 = %get3A_477, %scan3A_871 = %get3A_484, %scan3A_872 = %get3A_491, %scan3A_873 = %get3A_498, %scan3A_874 = %get3A_505, %scan3A_875 = %get3A_512, %scan3A_876 = %get3A_519, %scan3A_877 = %get3A_526, %scan3A_878 = %get3A_533, %scan3A_879 = %get3A_540, %scan3A_880 = %get3A_547, %scan3A_881 = %get3A_554, %scan3A_882 = %get3A_561, %scan3A_883 = %get3A_568, %scan3A_884 = %get3A_575) -> (vector<16xf32>, vector<16xf32>, vector<16xf32>, vector<16xf32>, vector<16xf32>, vector<16xf32>, vector<16xf32>, vector<16xf32>, vector<16xf32>, vector<16xf32>, vector<16xf32>, vector<16xf32>, vector<16xf32>, vector<16xf32>, vector<16xf32>, vector<16xf32>)  : i32 {
        %add3A_885 = arith.constant 0 : i32
        %add3A_886 = arith.addi %add3A_885, %scan3A_868 : i32
        %get3A_887 = arith.constant 1 : i32
        %get3A_888 = arith.index_cast %get3A_887 : i32 to index
        %get3A_889 = arith.index_cast %add3A_886 : i32 to index
        %get3A_890 = arith.constant 0 : index
        %get3A_891 = tpu.vector_load %arg6[%get3A_888, %get3A_889, %get3A_890] {strides = array<i32>} : memref<2x128x256xf32, #tpu.memory_space<vmem>>, vector<1x1x16xf32>,
        %get3A_892 = vector.shape_cast %get3A_891 : vector<1x1x16xf32> to vector<16xf32>
        %add3A_893 = arith.addf %scan3A_869, %get3A_892 : vector<16xf32>
        %get3A_894 = arith.constant 1 : i32
        %get3A_895 = arith.index_cast %get3A_894 : i32 to index
        %get3A_896 = arith.index_cast %add3A_886 : i32 to index
        %get3A_897 = arith.constant 16 : index
        %get3A_898 = tpu.vector_load %arg6[%get3A_895, %get3A_896, %get3A_897] {strides = array<i32>} : memref<2x128x256xf32, #tpu.memory_space<vmem>>, vector<1x1x16xf32>,
        %get3A_899 = vector.shape_cast %get3A_898 : vector<1x1x16xf32> to vector<16xf32>
        %add3A_900 = arith.addf %scan3A_870, %get3A_899 : vector<16xf32>
        %get3A_901 = arith.constant 1 : i32
        %get3A_902 = arith.index_cast %get3A_901 : i32 to index
        %get3A_903 = arith.index_cast %add3A_886 : i32 to index
        %get3A_904 = arith.constant 32 : index
        %get3A_905 = tpu.vector_load %arg6[%get3A_902, %get3A_903, %get3A_904] {strides = array<i32>} : memref<2x128x256xf32, #tpu.memory_space<vmem>>, vector<1x1x16xf32>,
        %get3A_906 = vector.shape_cast %get3A_905 : vector<1x1x16xf32> to vector<16xf32>
        %add3A_907 = arith.addf %scan3A_871, %get3A_906 : vector<16xf32>
        %get3A_908 = arith.constant 1 : i32
        %get3A_909 = arith.index_cast %get3A_908 : i32 to index
        %get3A_910 = arith.index_cast %add3A_886 : i32 to index
        %get3A_911 = arith.constant 48 : index
        %get3A_912 = tpu.vector_load %arg6[%get3A_909, %get3A_910, %get3A_911] {strides = array<i32>} : memref<2x128x256xf32, #tpu.memory_space<vmem>>, vector<1x1x16xf32>,
        %get3A_913 = vector.shape_cast %get3A_912 : vector<1x1x16xf32> to vector<16xf32>
        %add3A_914 = arith.addf %scan3A_872, %get3A_913 : vector<16xf32>
        %get3A_915 = arith.constant 1 : i32
        %get3A_916 = arith.index_cast %get3A_915 : i32 to index
        %get3A_917 = arith.index_cast %add3A_886 : i32 to index
        %get3A_918 = arith.constant 64 : index
        %get3A_919 = tpu.vector_load %arg6[%get3A_916, %get3A_917, %get3A_918] {strides = array<i32>} : memref<2x128x256xf32, #tpu.memory_space<vmem>>, vector<1x1x16xf32>,
        %get3A_920 = vector.shape_cast %get3A_919 : vector<1x1x16xf32> to vector<16xf32>
        %add3A_921 = arith.addf %scan3A_873, %get3A_920 : vector<16xf32>
        %get3A_922 = arith.constant 1 : i32
        %get3A_923 = arith.index_cast %get3A_922 : i32 to index
        %get3A_924 = arith.index_cast %add3A_886 : i32 to index
        %get3A_925 = arith.constant 80 : index
        %get3A_926 = tpu.vector_load %arg6[%get3A_923, %get3A_924, %get3A_925] {strides = array<i32>} : memref<2x128x256xf32, #tpu.memory_space<vmem>>, vector<1x1x16xf32>,
        %get3A_927 = vector.shape_cast %get3A_926 : vector<1x1x16xf32> to vector<16xf32>
        %add3A_928 = arith.addf %scan3A_874, %get3A_927 : vector<16xf32>
        %get3A_929 = arith.constant 1 : i32
        %get3A_930 = arith.index_cast %get3A_929 : i32 to index
        %get3A_931 = arith.index_cast %add3A_886 : i32 to index
        %get3A_932 = arith.constant 96 : index
        %get3A_933 = tpu.vector_load %arg6[%get3A_930, %get3A_931, %get3A_932] {strides = array<i32>} : memref<2x128x256xf32, #tpu.memory_space<vmem>>, vector<1x1x16xf32>,
        %get3A_934 = vector.shape_cast %get3A_933 : vector<1x1x16xf32> to vector<16xf32>
        %add3A_935 = arith.addf %scan3A_875, %get3A_934 : vector<16xf32>
        %get3A_936 = arith.constant 1 : i32
        %get3A_937 = arith.index_cast %get3A_936 : i32 to index
        %get3A_938 = arith.index_cast %add3A_886 : i32 to index
        %get3A_939 = arith.constant 112 : index
        %get3A_940 = tpu.vector_load %arg6[%get3A_937, %get3A_938, %get3A_939] {strides = array<i32>} : memref<2x128x256xf32, #tpu.memory_space<vmem>>, vector<1x1x16xf32>,
        %get3A_941 = vector.shape_cast %get3A_940 : vector<1x1x16xf32> to vector<16xf32>
        %add3A_942 = arith.addf %scan3A_876, %get3A_941 : vector<16xf32>
        %get3A_943 = arith.constant 1 : i32
        %get3A_944 = arith.index_cast %get3A_943 : i32 to index
        %get3A_945 = arith.index_cast %add3A_886 : i32 to index
        %get3A_946 = arith.constant 128 : index
        %get3A_947 = tpu.vector_load %arg6[%get3A_944, %get3A_945, %get3A_946] {strides = array<i32>} : memref<2x128x256xf32, #tpu.memory_space<vmem>>, vector<1x1x16xf32>,
        %get3A_948 = vector.shape_cast %get3A_947 : vector<1x1x16xf32> to vector<16xf32>
        %add3A_949 = arith.addf %scan3A_877, %get3A_948 : vector<16xf32>
        %get3A_950 = arith.constant 1 : i32
        %get3A_951 = arith.index_cast %get3A_950 : i32 to index
        %get3A_952 = arith.index_cast %add3A_886 : i32 to index
        %get3A_953 = arith.constant 144 : index
        %get3A_954 = tpu.vector_load %arg6[%get3A_951, %get3A_952, %get3A_953] {strides = array<i32>} : memref<2x128x256xf32, #tpu.memory_space<vmem>>, vector<1x1x16xf32>,
        %get3A_955 = vector.shape_cast %get3A_954 : vector<1x1x16xf32> to vector<16xf32>
        %add3A_956 = arith.addf %scan3A_878, %get3A_955 : vector<16xf32>
        %get3A_957 = arith.constant 1 : i32
        %get3A_958 = arith.index_cast %get3A_957 : i32 to index
        %get3A_959 = arith.index_cast %add3A_886 : i32 to index
        %get3A_960 = arith.constant 160 : index
        %get3A_961 = tpu.vector_load %arg6[%get3A_958, %get3A_959, %get3A_960] {strides = array<i32>} : memref<2x128x256xf32, #tpu.memory_space<vmem>>, vector<1x1x16xf32>,
        %get3A_962 = vector.shape_cast %get3A_961 : vector<1x1x16xf32> to vector<16xf32>
        %add3A_963 = arith.addf %scan3A_879, %get3A_962 : vector<16xf32>
        %get3A_964 = arith.constant 1 : i32
        %get3A_965 = arith.index_cast %get3A_964 : i32 to index
        %get3A_966 = arith.index_cast %add3A_886 : i32 to index
        %get3A_967 = arith.constant 176 : index
        %get3A_968 = tpu.vector_load %arg6[%get3A_965, %get3A_966, %get3A_967] {strides = array<i32>} : memref<2x128x256xf32, #tpu.memory_space<vmem>>, vector<1x1x16xf32>,
        %get3A_969 = vector.shape_cast %get3A_968 : vector<1x1x16xf32> to vector<16xf32>
        %add3A_970 = arith.addf %scan3A_880, %get3A_969 : vector<16xf32>
        %get3A_971 = arith.constant 1 : i32
        %get3A_972 = arith.index_cast %get3A_971 : i32 to index
        %get3A_973 = arith.index_cast %add3A_886 : i32 to index
        %get3A_974 = arith.constant 192 : index
        %get3A_975 = tpu.vector_load %arg6[%get3A_972, %get3A_973, %get3A_974] {strides = array<i32>} : memref<2x128x256xf32, #tpu.memory_space<vmem>>, vector<1x1x16xf32>,
        %get3A_976 = vector.shape_cast %get3A_975 : vector<1x1x16xf32> to vector<16xf32>
        %add3A_977 = arith.addf %scan3A_881, %get3A_976 : vector<16xf32>
        %get3A_978 = arith.constant 1 : i32
        %get3A_979 = arith.index_cast %get3A_978 : i32 to index
        %get3A_980 = arith.index_cast %add3A_886 : i32 to index
        %get3A_981 = arith.constant 208 : index
        %get3A_982 = tpu.vector_load %arg6[%get3A_979, %get3A_980, %get3A_981] {strides = array<i32>} : memref<2x128x256xf32, #tpu.memory_space<vmem>>, vector<1x1x16xf32>,
        %get3A_983 = vector.shape_cast %get3A_982 : vector<1x1x16xf32> to vector<16xf32>
        %add3A_984 = arith.addf %scan3A_882, %get3A_983 : vector<16xf32>
        %get3A_985 = arith.constant 1 : i32
        %get3A_986 = arith.index_cast %get3A_985 : i32 to index
        %get3A_987 = arith.index_cast %add3A_886 : i32 to index
        %get3A_988 = arith.constant 224 : index
        %get3A_989 = tpu.vector_load %arg6[%get3A_986, %get3A_987, %get3A_988] {strides = array<i32>} : memref<2x128x256xf32, #tpu.memory_space<vmem>>, vector<1x1x16xf32>,
        %get3A_990 = vector.shape_cast %get3A_989 : vector<1x1x16xf32> to vector<16xf32>
        %add3A_991 = arith.addf %scan3A_883, %get3A_990 : vector<16xf32>
        %get3A_992 = arith.constant 1 : i32
        %get3A_993 = arith.index_cast %get3A_992 : i32 to index
        %get3A_994 = arith.index_cast %add3A_886 : i32 to index
        %get3A_995 = arith.constant 240 : index
        %get3A_996 = tpu.vector_load %arg6[%get3A_993, %get3A_994, %get3A_995] {strides = array<i32>} : memref<2x128x256xf32, #tpu.memory_space<vmem>>, vector<1x1x16xf32>,
        %get3A_997 = vector.shape_cast %get3A_996 : vector<1x1x16xf32> to vector<16xf32>
        %add3A_998 = arith.addf %scan3A_884, %get3A_997 : vector<16xf32>
        scf.yield %add3A_893, %add3A_900, %add3A_907, %add3A_914, %add3A_921, %add3A_928, %add3A_935, %add3A_942, %add3A_949, %add3A_956, %add3A_963, %add3A_970, %add3A_977, %add3A_984, %add3A_991, %add3A_998 : vector<16xf32>, vector<16xf32>, vector<16xf32>, vector<16xf32>, vector<16xf32>, vector<16xf32>, vector<16xf32>, vector<16xf32>, vector<16xf32>, vector<16xf32>, vector<16xf32>, vector<16xf32>, vector<16xf32>, vector<16xf32>, vector<16xf32>, vector<16xf32>
      }
      %scan3A_581 = arith.constant 49 : i32
      %mul3A_582 = arith.constant 2 : i32
      %mul3A_583 = arith.muli %mul3A_582, %add3A_444 : i32
      %add3A_584 = arith.constant 0 : i32
      %add3A_585 = arith.addi %mul3A_583, %add3A_584 : i32
      %swap3A_586 = arith.index_cast %add3A_585 : i32 to index
      %swap3A_587 = arith.constant 0 : index
      %swap3A_588 = tpu.vector_load %arg7[%swap3A_586, %swap3A_587] {strides = array<i32>} : memref<128x256xf32, #tpu.memory_space<vmem>>, vector<1x16xf32>,
      %swap3A_589 = vector.shape_cast %swap3A_588 : vector<1x16xf32> to vector<16xf32>
      %swap3A_590 = vector.shape_cast %scan3A_580#0 : vector<16xf32> to vector<1x16xf32>
      tpu.vector_store %arg7[%swap3A_586, %swap3A_587], %swap3A_590 {strides = array<i32>} : memref<128x256xf32, #tpu.memory_space<vmem>>, vector<1x16xf32>,
      %swap3A_591 = arith.index_cast %add3A_585 : i32 to index
      %swap3A_592 = arith.constant 16 : index
      %swap3A_593 = tpu.vector_load %arg7[%swap3A_591, %swap3A_592] {strides = array<i32>} : memref<128x256xf32, #tpu.memory_space<vmem>>, vector<1x16xf32>,
      %swap3A_594 = vector.shape_cast %swap3A_593 : vector<1x16xf32> to vector<16xf32>
      %swap3A_595 = vector.shape_cast %scan3A_580#1 : vector<16xf32> to vector<1x16xf32>
      tpu.vector_store %arg7[%swap3A_591, %swap3A_592], %swap3A_595 {strides = array<i32>} : memref<128x256xf32, #tpu.memory_space<vmem>>, vector<1x16xf32>,
      %swap3A_596 = arith.index_cast %add3A_585 : i32 to index
      %swap3A_597 = arith.constant 32 : index
      %swap3A_598 = tpu.vector_load %arg7[%swap3A_596, %swap3A_597] {strides = array<i32>} : memref<128x256xf32, #tpu.memory_space<vmem>>, vector<1x16xf32>,
      %swap3A_599 = vector.shape_cast %swap3A_598 : vector<1x16xf32> to vector<16xf32>
      %swap3A_600 = vector.shape_cast %scan3A_580#2 : vector<16xf32> to vector<1x16xf32>
      tpu.vector_store %arg7[%swap3A_596, %swap3A_597], %swap3A_600 {strides = array<i32>} : memref<128x256xf32, #tpu.memory_space<vmem>>, vector<1x16xf32>,
      %swap3A_601 = arith.index_cast %add3A_585 : i32 to index
      %swap3A_602 = arith.constant 48 : index
      %swap3A_603 = tpu.vector_load %arg7[%swap3A_601, %swap3A_602] {strides = array<i32>} : memref<128x256xf32, #tpu.memory_space<vmem>>, vector<1x16xf32>,
      %swap3A_604 = vector.shape_cast %swap3A_603 : vector<1x16xf32> to vector<16xf32>
      %swap3A_605 = vector.shape_cast %scan3A_580#3 : vector<16xf32> to vector<1x16xf32>
      tpu.vector_store %arg7[%swap3A_601, %swap3A_602], %swap3A_605 {strides = array<i32>} : memref<128x256xf32, #tpu.memory_space<vmem>>, vector<1x16xf32>,
      %swap3A_606 = arith.index_cast %add3A_585 : i32 to index
      %swap3A_607 = arith.constant 64 : index
      %swap3A_608 = tpu.vector_load %arg7[%swap3A_606, %swap3A_607] {strides = array<i32>} : memref<128x256xf32, #tpu.memory_space<vmem>>, vector<1x16xf32>,
      %swap3A_609 = vector.shape_cast %swap3A_608 : vector<1x16xf32> to vector<16xf32>
      %swap3A_610 = vector.shape_cast %scan3A_580#4 : vector<16xf32> to vector<1x16xf32>
      tpu.vector_store %arg7[%swap3A_606, %swap3A_607], %swap3A_610 {strides = array<i32>} : memref<128x256xf32, #tpu.memory_space<vmem>>, vector<1x16xf32>,
      %swap3A_611 = arith.index_cast %add3A_585 : i32 to index
      %swap3A_612 = arith.constant 80 : index
      %swap3A_613 = tpu.vector_load %arg7[%swap3A_611, %swap3A_612] {strides = array<i32>} : memref<128x256xf32, #tpu.memory_space<vmem>>, vector<1x16xf32>,
      %swap3A_614 = vector.shape_cast %swap3A_613 : vector<1x16xf32> to vector<16xf32>
      %swap3A_615 = vector.shape_cast %scan3A_580#5 : vector<16xf32> to vector<1x16xf32>
      tpu.vector_store %arg7[%swap3A_611, %swap3A_612], %swap3A_615 {strides = array<i32>} : memref<128x256xf32, #tpu.memory_space<vmem>>, vector<1x16xf32>,
      %swap3A_616 = arith.index_cast %add3A_585 : i32 to index
      %swap3A_617 = arith.constant 96 : index
      %swap3A_618 = tpu.vector_load %arg7[%swap3A_616, %swap3A_617] {strides = array<i32>} : memref<128x256xf32, #tpu.memory_space<vmem>>, vector<1x16xf32>,
      %swap3A_619 = vector.shape_cast %swap3A_618 : vector<1x16xf32> to vector<16xf32>
      %swap3A_620 = vector.shape_cast %scan3A_580#6 : vector<16xf32> to vector<1x16xf32>
      tpu.vector_store %arg7[%swap3A_616, %swap3A_617], %swap3A_620 {strides = array<i32>} : memref<128x256xf32, #tpu.memory_space<vmem>>, vector<1x16xf32>,
      %swap3A_621 = arith.index_cast %add3A_585 : i32 to index
      %swap3A_622 = arith.constant 112 : index
      %swap3A_623 = tpu.vector_load %arg7[%swap3A_621, %swap3A_622] {strides = array<i32>} : memref<128x256xf32, #tpu.memory_space<vmem>>, vector<1x16xf32>,
      %swap3A_624 = vector.shape_cast %swap3A_623 : vector<1x16xf32> to vector<16xf32>
      %swap3A_625 = vector.shape_cast %scan3A_580#7 : vector<16xf32> to vector<1x16xf32>
      tpu.vector_store %arg7[%swap3A_621, %swap3A_622], %swap3A_625 {strides = array<i32>} : memref<128x256xf32, #tpu.memory_space<vmem>>, vector<1x16xf32>,
      %swap3A_626 = arith.index_cast %add3A_585 : i32 to index
      %swap3A_627 = arith.constant 128 : index
      %swap3A_628 = tpu.vector_load %arg7[%swap3A_626, %swap3A_627] {strides = array<i32>} : memref<128x256xf32, #tpu.memory_space<vmem>>, vector<1x16xf32>,
      %swap3A_629 = vector.shape_cast %swap3A_628 : vector<1x16xf32> to vector<16xf32>
      %swap3A_630 = vector.shape_cast %scan3A_580#8 : vector<16xf32> to vector<1x16xf32>
      tpu.vector_store %arg7[%swap3A_626, %swap3A_627], %swap3A_630 {strides = array<i32>} : memref<128x256xf32, #tpu.memory_space<vmem>>, vector<1x16xf32>,
      %swap3A_631 = arith.index_cast %add3A_585 : i32 to index
      %swap3A_632 = arith.constant 144 : index
      %swap3A_633 = tpu.vector_load %arg7[%swap3A_631, %swap3A_632] {strides = array<i32>} : memref<128x256xf32, #tpu.memory_space<vmem>>, vector<1x16xf32>,
      %swap3A_634 = vector.shape_cast %swap3A_633 : vector<1x16xf32> to vector<16xf32>
      %swap3A_635 = vector.shape_cast %scan3A_580#9 : vector<16xf32> to vector<1x16xf32>
      tpu.vector_store %arg7[%swap3A_631, %swap3A_632], %swap3A_635 {strides = array<i32>} : memref<128x256xf32, #tpu.memory_space<vmem>>, vector<1x16xf32>,
      %swap3A_636 = arith.index_cast %add3A_585 : i32 to index
      %swap3A_637 = arith.constant 160 : index
      %swap3A_638 = tpu.vector_load %arg7[%swap3A_636, %swap3A_637] {strides = array<i32>} : memref<128x256xf32, #tpu.memory_space<vmem>>, vector<1x16xf32>,
      %swap3A_639 = vector.shape_cast %swap3A_638 : vector<1x16xf32> to vector<16xf32>
      %swap3A_640 = vector.shape_cast %scan3A_580#10 : vector<16xf32> to vector<1x16xf32>
      tpu.vector_store %arg7[%swap3A_636, %swap3A_637], %swap3A_640 {strides = array<i32>} : memref<128x256xf32, #tpu.memory_space<vmem>>, vector<1x16xf32>,
      %swap3A_641 = arith.index_cast %add3A_585 : i32 to index
      %swap3A_642 = arith.constant 176 : index
      %swap3A_643 = tpu.vector_load %arg7[%swap3A_641, %swap3A_642] {strides = array<i32>} : memref<128x256xf32, #tpu.memory_space<vmem>>, vector<1x16xf32>,
      %swap3A_644 = vector.shape_cast %swap3A_643 : vector<1x16xf32> to vector<16xf32>
      %swap3A_645 = vector.shape_cast %scan3A_580#11 : vector<16xf32> to vector<1x16xf32>
      tpu.vector_store %arg7[%swap3A_641, %swap3A_642], %swap3A_645 {strides = array<i32>} : memref<128x256xf32, #tpu.memory_space<vmem>>, vector<1x16xf32>,
      %swap3A_646 = arith.index_cast %add3A_585 : i32 to index
      %swap3A_647 = arith.constant 192 : index
      %swap3A_648 = tpu.vector_load %arg7[%swap3A_646, %swap3A_647] {strides = array<i32>} : memref<128x256xf32, #tpu.memory_space<vmem>>, vector<1x16xf32>,
      %swap3A_649 = vector.shape_cast %swap3A_648 : vector<1x16xf32> to vector<16xf32>
      %swap3A_650 = vector.shape_cast %scan3A_580#12 : vector<16xf32> to vector<1x16xf32>
      tpu.vector_store %arg7[%swap3A_646, %swap3A_647], %swap3A_650 {strides = array<i32>} : memref<128x256xf32, #tpu.memory_space<vmem>>, vector<1x16xf32>,
      %swap3A_651 = arith.index_cast %add3A_585 : i32 to index
      %swap3A_652 = arith.constant 208 : index
      %swap3A_653 = tpu.vector_load %arg7[%swap3A_651, %swap3A_652] {strides = array<i32>} : memref<128x256xf32, #tpu.memory_space<vmem>>, vector<1x16xf32>,
      %swap3A_654 = vector.shape_cast %swap3A_653 : vector<1x16xf32> to vector<16xf32>
      %swap3A_655 = vector.shape_cast %scan3A_580#13 : vector<16xf32> to vector<1x16xf32>
      tpu.vector_store %arg7[%swap3A_651, %swap3A_652], %swap3A_655 {strides = array<i32>} : memref<128x256xf32, #tpu.memory_space<vmem>>, vector<1x16xf32>,
      %swap3A_656 = arith.index_cast %add3A_585 : i32 to index
      %swap3A_657 = arith.constant 224 : index
      %swap3A_658 = tpu.vector_load %arg7[%swap3A_656, %swap3A_657] {strides = array<i32>} : memref<128x256xf32, #tpu.memory_space<vmem>>, vector<1x16xf32>,
      %swap3A_659 = vector.shape_cast %swap3A_658 : vector<1x16xf32> to vector<16xf32>
      %swap3A_660 = vector.shape_cast %scan3A_580#14 : vector<16xf32> to vector<1x16xf32>
      tpu.vector_store %arg7[%swap3A_656, %swap3A_657], %swap3A_660 {strides = array<i32>} : memref<128x256xf32, #tpu.memory_space<vmem>>, vector<1x16xf32>,
      %swap3A_661 = arith.index_cast %add3A_585 : i32 to index
      %swap3A_662 = arith.constant 240 : index
      %swap3A_663 = tpu.vector_load %arg7[%swap3A_661, %swap3A_662] {strides = array<i32>} : memref<128x256xf32, #tpu.memory_space<vmem>>, vector<1x16xf32>,
      %swap3A_664 = vector.shape_cast %swap3A_663 : vector<1x16xf32> to vector<16xf32>
      %swap3A_665 = vector.shape_cast %scan3A_580#15 : vector<16xf32> to vector<1x16xf32>
      tpu.vector_store %arg7[%swap3A_661, %swap3A_662], %swap3A_665 {strides = array<i32>} : memref<128x256xf32, #tpu.memory_space<vmem>>, vector<1x16xf32>,
      %get3A_666 = arith.constant 1 : i32
      %get3A_667 = arith.constant 50 : i32
      %get3A_668 = arith.index_cast %get3A_666 : i32 to index
      %get3A_669 = arith.index_cast %get3A_667 : i32 to index
      %get3A_670 = arith.constant 0 : index
      %get3A_671 = tpu.vector_load %arg6[%get3A_668, %get3A_669, %get3A_670] {strides = array<i32>} : memref<2x128x256xf32, #tpu.memory_space<vmem>>, vector<1x1x16xf32>,
      %get3A_672 = vector.shape_cast %get3A_671 : vector<1x1x16xf32> to vector<16xf32>
      %get3A_673 = arith.constant 1 : i32
      %get3A_674 = arith.constant 50 : i32
      %get3A_675 = arith.index_cast %get3A_673 : i32 to index
      %get3A_676 = arith.index_cast %get3A_674 : i32 to index
      %get3A_677 = arith.constant 16 : index
      %get3A_678 = tpu.vector_load %arg6[%get3A_675, %get3A_676, %get3A_677] {strides = array<i32>} : memref<2x128x256xf32, #tpu.memory_space<vmem>>, vector<1x1x16xf32>,
      %get3A_679 = vector.shape_cast %get3A_678 : vector<1x1x16xf32> to vector<16xf32>
      %get3A_680 = arith.constant 1 : i32
      %get3A_681 = arith.constant 50 : i32
      %get3A_682 = arith.index_cast %get3A_680 : i32 to index
      %get3A_683 = arith.index_cast %get3A_681 : i32 to index
      %get3A_684 = arith.constant 32 : index
      %get3A_685 = tpu.vector_load %arg6[%get3A_682, %get3A_683, %get3A_684] {strides = array<i32>} : memref<2x128x256xf32, #tpu.memory_space<vmem>>, vector<1x1x16xf32>,
      %get3A_686 = vector.shape_cast %get3A_685 : vector<1x1x16xf32> to vector<16xf32>
      %get3A_687 = arith.constant 1 : i32
      %get3A_688 = arith.constant 50 : i32
      %get3A_689 = arith.index_cast %get3A_687 : i32 to index
      %get3A_690 = arith.index_cast %get3A_688 : i32 to index
      %get3A_691 = arith.constant 48 : index
      %get3A_692 = tpu.vector_load %arg6[%get3A_689, %get3A_690, %get3A_691] {strides = array<i32>} : memref<2x128x256xf32, #tpu.memory_space<vmem>>, vector<1x1x16xf32>,
      %get3A_693 = vector.shape_cast %get3A_692 : vector<1x1x16xf32> to vector<16xf32>
      %get3A_694 = arith.constant 1 : i32
      %get3A_695 = arith.constant 50 : i32
      %get3A_696 = arith.index_cast %get3A_694 : i32 to index
      %get3A_697 = arith.index_cast %get3A_695 : i32 to index
      %get3A_698 = arith.constant 64 : index
      %get3A_699 = tpu.vector_load %arg6[%get3A_696, %get3A_697, %get3A_698] {strides = array<i32>} : memref<2x128x256xf32, #tpu.memory_space<vmem>>, vector<1x1x16xf32>,
      %get3A_700 = vector.shape_cast %get3A_699 : vector<1x1x16xf32> to vector<16xf32>
      %get3A_701 = arith.constant 1 : i32
      %get3A_702 = arith.constant 50 : i32
      %get3A_703 = arith.index_cast %get3A_701 : i32 to index
      %get3A_704 = arith.index_cast %get3A_702 : i32 to index
      %get3A_705 = arith.constant 80 : index
      %get3A_706 = tpu.vector_load %arg6[%get3A_703, %get3A_704, %get3A_705] {strides = array<i32>} : memref<2x128x256xf32, #tpu.memory_space<vmem>>, vector<1x1x16xf32>,
      %get3A_707 = vector.shape_cast %get3A_706 : vector<1x1x16xf32> to vector<16xf32>
      %get3A_708 = arith.constant 1 : i32
      %get3A_709 = arith.constant 50 : i32
      %get3A_710 = arith.index_cast %get3A_708 : i32 to index
      %get3A_711 = arith.index_cast %get3A_709 : i32 to index
      %get3A_712 = arith.constant 96 : index
      %get3A_713 = tpu.vector_load %arg6[%get3A_710, %get3A_711, %get3A_712] {strides = array<i32>} : memref<2x128x256xf32, #tpu.memory_space<vmem>>, vector<1x1x16xf32>,
      %get3A_714 = vector.shape_cast %get3A_713 : vector<1x1x16xf32> to vector<16xf32>
      %get3A_715 = arith.constant 1 : i32
      %get3A_716 = arith.constant 50 : i32
      %get3A_717 = arith.index_cast %get3A_715 : i32 to index
      %get3A_718 = arith.index_cast %get3A_716 : i32 to index
      %get3A_719 = arith.constant 112 : index
      %get3A_720 = tpu.vector_load %arg6[%get3A_717, %get3A_718, %get3A_719] {strides = array<i32>} : memref<2x128x256xf32, #tpu.memory_space<vmem>>, vector<1x1x16xf32>,
      %get3A_721 = vector.shape_cast %get3A_720 : vector<1x1x16xf32> to vector<16xf32>
      %get3A_722 = arith.constant 1 : i32
      %get3A_723 = arith.constant 50 : i32
      %get3A_724 = arith.index_cast %get3A_722 : i32 to index
      %get3A_725 = arith.index_cast %get3A_723 : i32 to index
      %get3A_726 = arith.constant 128 : index
      %get3A_727 = tpu.vector_load %arg6[%get3A_724, %get3A_725, %get3A_726] {strides = array<i32>} : memref<2x128x256xf32, #tpu.memory_space<vmem>>, vector<1x1x16xf32>,
      %get3A_728 = vector.shape_cast %get3A_727 : vector<1x1x16xf32> to vector<16xf32>
      %get3A_729 = arith.constant 1 : i32
      %get3A_730 = arith.constant 50 : i32
      %get3A_731 = arith.index_cast %get3A_729 : i32 to index
      %get3A_732 = arith.index_cast %get3A_730 : i32 to index
      %get3A_733 = arith.constant 144 : index
      %get3A_734 = tpu.vector_load %arg6[%get3A_731, %get3A_732, %get3A_733] {strides = array<i32>} : memref<2x128x256xf32, #tpu.memory_space<vmem>>, vector<1x1x16xf32>,
      %get3A_735 = vector.shape_cast %get3A_734 : vector<1x1x16xf32> to vector<16xf32>
      %get3A_736 = arith.constant 1 : i32
      %get3A_737 = arith.constant 50 : i32
      %get3A_738 = arith.index_cast %get3A_736 : i32 to index
      %get3A_739 = arith.index_cast %get3A_737 : i32 to index
      %get3A_740 = arith.constant 160 : index
      %get3A_741 = tpu.vector_load %arg6[%get3A_738, %get3A_739, %get3A_740] {strides = array<i32>} : memref<2x128x256xf32, #tpu.memory_space<vmem>>, vector<1x1x16xf32>,
      %get3A_742 = vector.shape_cast %get3A_741 : vector<1x1x16xf32> to vector<16xf32>
      %get3A_743 = arith.constant 1 : i32
      %get3A_744 = arith.constant 50 : i32
      %get3A_745 = arith.index_cast %get3A_743 : i32 to index
      %get3A_746 = arith.index_cast %get3A_744 : i32 to index
      %get3A_747 = arith.constant 176 : index
      %get3A_748 = tpu.vector_load %arg6[%get3A_745, %get3A_746, %get3A_747] {strides = array<i32>} : memref<2x128x256xf32, #tpu.memory_space<vmem>>, vector<1x1x16xf32>,
      %get3A_749 = vector.shape_cast %get3A_748 : vector<1x1x16xf32> to vector<16xf32>
      %get3A_750 = arith.constant 1 : i32
      %get3A_751 = arith.constant 50 : i32
      %get3A_752 = arith.index_cast %get3A_750 : i32 to index
      %get3A_753 = arith.index_cast %get3A_751 : i32 to index
      %get3A_754 = arith.constant 192 : index
      %get3A_755 = tpu.vector_load %arg6[%get3A_752, %get3A_753, %get3A_754] {strides = array<i32>} : memref<2x128x256xf32, #tpu.memory_space<vmem>>, vector<1x1x16xf32>,
      %get3A_756 = vector.shape_cast %get3A_755 : vector<1x1x16xf32> to vector<16xf32>
      %get3A_757 = arith.constant 1 : i32
      %get3A_758 = arith.constant 50 : i32
      %get3A_759 = arith.index_cast %get3A_757 : i32 to index
      %get3A_760 = arith.index_cast %get3A_758 : i32 to index
      %get3A_761 = arith.constant 208 : index
      %get3A_762 = tpu.vector_load %arg6[%get3A_759, %get3A_760, %get3A_761] {strides = array<i32>} : memref<2x128x256xf32, #tpu.memory_space<vmem>>, vector<1x1x16xf32>,
      %get3A_763 = vector.shape_cast %get3A_762 : vector<1x1x16xf32> to vector<16xf32>
      %get3A_764 = arith.constant 1 : i32
      %get3A_765 = arith.constant 50 : i32
      %get3A_766 = arith.index_cast %get3A_764 : i32 to index
      %get3A_767 = arith.index_cast %get3A_765 : i32 to index
      %get3A_768 = arith.constant 224 : index
      %get3A_769 = tpu.vector_load %arg6[%get3A_766, %get3A_767, %get3A_768] {strides = array<i32>} : memref<2x128x256xf32, #tpu.memory_space<vmem>>, vector<1x1x16xf32>,
      %get3A_770 = vector.shape_cast %get3A_769 : vector<1x1x16xf32> to vector<16xf32>
      %get3A_771 = arith.constant 1 : i32
      %get3A_772 = arith.constant 50 : i32
      %get3A_773 = arith.index_cast %get3A_771 : i32 to index
      %get3A_774 = arith.index_cast %get3A_772 : i32 to index
      %get3A_775 = arith.constant 240 : index
      %get3A_776 = tpu.vector_load %arg6[%get3A_773, %get3A_774, %get3A_775] {strides = array<i32>} : memref<2x128x256xf32, #tpu.memory_space<vmem>>, vector<1x1x16xf32>,
      %get3A_777 = vector.shape_cast %get3A_776 : vector<1x1x16xf32> to vector<16xf32>
      %scan3A_778 = arith.constant 1 : i32
      %scan3A_779 = arith.constant 49 : i32
      %scan3A_780 = arith.addi %scan3A_778, %scan3A_779 : i32
      %scan3A_781 = arith.constant 1 : i32
      %scan3A_782:16 = scf.for %scan3A_868 = %scan3A_778 to %scan3A_780 step %scan3A_781 iter_args(%scan3A_869 = %get3A_672, %scan3A_870 = %get3A_679, %scan3A_871 = %get3A_686, %scan3A_872 = %get3A_693, %scan3A_873 = %get3A_700, %scan3A_874 = %get3A_707, %scan3A_875 = %get3A_714, %scan3A_876 = %get3A_721, %scan3A_877 = %get3A_728, %scan3A_878 = %get3A_735, %scan3A_879 = %get3A_742, %scan3A_880 = %get3A_749, %scan3A_881 = %get3A_756, %scan3A_882 = %get3A_763, %scan3A_883 = %get3A_770, %scan3A_884 = %get3A_777) -> (vector<16xf32>, vector<16xf32>, vector<16xf32>, vector<16xf32>, vector<16xf32>, vector<16xf32>, vector<16xf32>, vector<16xf32>, vector<16xf32>, vector<16xf32>, vector<16xf32>, vector<16xf32>, vector<16xf32>, vector<16xf32>, vector<16xf32>, vector<16xf32>)  : i32 {
        %add3A_885 = arith.constant 50 : i32
        %add3A_886 = arith.addi %add3A_885, %scan3A_868 : i32
        %get3A_887 = arith.constant 1 : i32
        %get3A_888 = arith.index_cast %get3A_887 : i32 to index
        %get3A_889 = arith.index_cast %add3A_886 : i32 to index
        %get3A_890 = arith.constant 0 : index
        %get3A_891 = tpu.vector_load %arg6[%get3A_888, %get3A_889, %get3A_890] {strides = array<i32>} : memref<2x128x256xf32, #tpu.memory_space<vmem>>, vector<1x1x16xf32>,
        %get3A_892 = vector.shape_cast %get3A_891 : vector<1x1x16xf32> to vector<16xf32>
        %add3A_893 = arith.addf %scan3A_869, %get3A_892 : vector<16xf32>
        %get3A_894 = arith.constant 1 : i32
        %get3A_895 = arith.index_cast %get3A_894 : i32 to index
        %get3A_896 = arith.index_cast %add3A_886 : i32 to index
        %get3A_897 = arith.constant 16 : index
        %get3A_898 = tpu.vector_load %arg6[%get3A_895, %get3A_896, %get3A_897] {strides = array<i32>} : memref<2x128x256xf32, #tpu.memory_space<vmem>>, vector<1x1x16xf32>,
        %get3A_899 = vector.shape_cast %get3A_898 : vector<1x1x16xf32> to vector<16xf32>
        %add3A_900 = arith.addf %scan3A_870, %get3A_899 : vector<16xf32>
        %get3A_901 = arith.constant 1 : i32
        %get3A_902 = arith.index_cast %get3A_901 : i32 to index
        %get3A_903 = arith.index_cast %add3A_886 : i32 to index
        %get3A_904 = arith.constant 32 : index
        %get3A_905 = tpu.vector_load %arg6[%get3A_902, %get3A_903, %get3A_904] {strides = array<i32>} : memref<2x128x256xf32, #tpu.memory_space<vmem>>, vector<1x1x16xf32>,
        %get3A_906 = vector.shape_cast %get3A_905 : vector<1x1x16xf32> to vector<16xf32>
        %add3A_907 = arith.addf %scan3A_871, %get3A_906 : vector<16xf32>
        %get3A_908 = arith.constant 1 : i32
        %get3A_909 = arith.index_cast %get3A_908 : i32 to index
        %get3A_910 = arith.index_cast %add3A_886 : i32 to index
        %get3A_911 = arith.constant 48 : index
        %get3A_912 = tpu.vector_load %arg6[%get3A_909, %get3A_910, %get3A_911] {strides = array<i32>} : memref<2x128x256xf32, #tpu.memory_space<vmem>>, vector<1x1x16xf32>,
        %get3A_913 = vector.shape_cast %get3A_912 : vector<1x1x16xf32> to vector<16xf32>
        %add3A_914 = arith.addf %scan3A_872, %get3A_913 : vector<16xf32>
        %get3A_915 = arith.constant 1 : i32
        %get3A_916 = arith.index_cast %get3A_915 : i32 to index
        %get3A_917 = arith.index_cast %add3A_886 : i32 to index
        %get3A_918 = arith.constant 64 : index
        %get3A_919 = tpu.vector_load %arg6[%get3A_916, %get3A_917, %get3A_918] {strides = array<i32>} : memref<2x128x256xf32, #tpu.memory_space<vmem>>, vector<1x1x16xf32>,
        %get3A_920 = vector.shape_cast %get3A_919 : vector<1x1x16xf32> to vector<16xf32>
        %add3A_921 = arith.addf %scan3A_873, %get3A_920 : vector<16xf32>
        %get3A_922 = arith.constant 1 : i32
        %get3A_923 = arith.index_cast %get3A_922 : i32 to index
        %get3A_924 = arith.index_cast %add3A_886 : i32 to index
        %get3A_925 = arith.constant 80 : index
        %get3A_926 = tpu.vector_load %arg6[%get3A_923, %get3A_924, %get3A_925] {strides = array<i32>} : memref<2x128x256xf32, #tpu.memory_space<vmem>>, vector<1x1x16xf32>,
        %get3A_927 = vector.shape_cast %get3A_926 : vector<1x1x16xf32> to vector<16xf32>
        %add3A_928 = arith.addf %scan3A_874, %get3A_927 : vector<16xf32>
        %get3A_929 = arith.constant 1 : i32
        %get3A_930 = arith.index_cast %get3A_929 : i32 to index
        %get3A_931 = arith.index_cast %add3A_886 : i32 to index
        %get3A_932 = arith.constant 96 : index
        %get3A_933 = tpu.vector_load %arg6[%get3A_930, %get3A_931, %get3A_932] {strides = array<i32>} : memref<2x128x256xf32, #tpu.memory_space<vmem>>, vector<1x1x16xf32>,
        %get3A_934 = vector.shape_cast %get3A_933 : vector<1x1x16xf32> to vector<16xf32>
        %add3A_935 = arith.addf %scan3A_875, %get3A_934 : vector<16xf32>
        %get3A_936 = arith.constant 1 : i32
        %get3A_937 = arith.index_cast %get3A_936 : i32 to index
        %get3A_938 = arith.index_cast %add3A_886 : i32 to index
        %get3A_939 = arith.constant 112 : index
        %get3A_940 = tpu.vector_load %arg6[%get3A_937, %get3A_938, %get3A_939] {strides = array<i32>} : memref<2x128x256xf32, #tpu.memory_space<vmem>>, vector<1x1x16xf32>,
        %get3A_941 = vector.shape_cast %get3A_940 : vector<1x1x16xf32> to vector<16xf32>
        %add3A_942 = arith.addf %scan3A_876, %get3A_941 : vector<16xf32>
        %get3A_943 = arith.constant 1 : i32
        %get3A_944 = arith.index_cast %get3A_943 : i32 to index
        %get3A_945 = arith.index_cast %add3A_886 : i32 to index
        %get3A_946 = arith.constant 128 : index
        %get3A_947 = tpu.vector_load %arg6[%get3A_944, %get3A_945, %get3A_946] {strides = array<i32>} : memref<2x128x256xf32, #tpu.memory_space<vmem>>, vector<1x1x16xf32>,
        %get3A_948 = vector.shape_cast %get3A_947 : vector<1x1x16xf32> to vector<16xf32>
        %add3A_949 = arith.addf %scan3A_877, %get3A_948 : vector<16xf32>
        %get3A_950 = arith.constant 1 : i32
        %get3A_951 = arith.index_cast %get3A_950 : i32 to index
        %get3A_952 = arith.index_cast %add3A_886 : i32 to index
        %get3A_953 = arith.constant 144 : index
        %get3A_954 = tpu.vector_load %arg6[%get3A_951, %get3A_952, %get3A_953] {strides = array<i32>} : memref<2x128x256xf32, #tpu.memory_space<vmem>>, vector<1x1x16xf32>,
        %get3A_955 = vector.shape_cast %get3A_954 : vector<1x1x16xf32> to vector<16xf32>
        %add3A_956 = arith.addf %scan3A_878, %get3A_955 : vector<16xf32>
        %get3A_957 = arith.constant 1 : i32
        %get3A_958 = arith.index_cast %get3A_957 : i32 to index
        %get3A_959 = arith.index_cast %add3A_886 : i32 to index
        %get3A_960 = arith.constant 160 : index
        %get3A_961 = tpu.vector_load %arg6[%get3A_958, %get3A_959, %get3A_960] {strides = array<i32>} : memref<2x128x256xf32, #tpu.memory_space<vmem>>, vector<1x1x16xf32>,
        %get3A_962 = vector.shape_cast %get3A_961 : vector<1x1x16xf32> to vector<16xf32>
        %add3A_963 = arith.addf %scan3A_879, %get3A_962 : vector<16xf32>
        %get3A_964 = arith.constant 1 : i32
        %get3A_965 = arith.index_cast %get3A_964 : i32 to index
        %get3A_966 = arith.index_cast %add3A_886 : i32 to index
        %get3A_967 = arith.constant 176 : index
        %get3A_968 = tpu.vector_load %arg6[%get3A_965, %get3A_966, %get3A_967] {strides = array<i32>} : memref<2x128x256xf32, #tpu.memory_space<vmem>>, vector<1x1x16xf32>,
        %get3A_969 = vector.shape_cast %get3A_968 : vector<1x1x16xf32> to vector<16xf32>
        %add3A_970 = arith.addf %scan3A_880, %get3A_969 : vector<16xf32>
        %get3A_971 = arith.constant 1 : i32
        %get3A_972 = arith.index_cast %get3A_971 : i32 to index
        %get3A_973 = arith.index_cast %add3A_886 : i32 to index
        %get3A_974 = arith.constant 192 : index
        %get3A_975 = tpu.vector_load %arg6[%get3A_972, %get3A_973, %get3A_974] {strides = array<i32>} : memref<2x128x256xf32, #tpu.memory_space<vmem>>, vector<1x1x16xf32>,
        %get3A_976 = vector.shape_cast %get3A_975 : vector<1x1x16xf32> to vector<16xf32>
        %add3A_977 = arith.addf %scan3A_881, %get3A_976 : vector<16xf32>
        %get3A_978 = arith.constant 1 : i32
        %get3A_979 = arith.index_cast %get3A_978 : i32 to index
        %get3A_980 = arith.index_cast %add3A_886 : i32 to index
        %get3A_981 = arith.constant 208 : index
        %get3A_982 = tpu.vector_load %arg6[%get3A_979, %get3A_980, %get3A_981] {strides = array<i32>} : memref<2x128x256xf32, #tpu.memory_space<vmem>>, vector<1x1x16xf32>,
        %get3A_983 = vector.shape_cast %get3A_982 : vector<1x1x16xf32> to vector<16xf32>
        %add3A_984 = arith.addf %scan3A_882, %get3A_983 : vector<16xf32>
        %get3A_985 = arith.constant 1 : i32
        %get3A_986 = arith.index_cast %get3A_985 : i32 to index
        %get3A_987 = arith.index_cast %add3A_886 : i32 to index
        %get3A_988 = arith.constant 224 : index
        %get3A_989 = tpu.vector_load %arg6[%get3A_986, %get3A_987, %get3A_988] {strides = array<i32>} : memref<2x128x256xf32, #tpu.memory_space<vmem>>, vector<1x1x16xf32>,
        %get3A_990 = vector.shape_cast %get3A_989 : vector<1x1x16xf32> to vector<16xf32>
        %add3A_991 = arith.addf %scan3A_883, %get3A_990 : vector<16xf32>
        %get3A_992 = arith.constant 1 : i32
        %get3A_993 = arith.index_cast %get3A_992 : i32 to index
        %get3A_994 = arith.index_cast %add3A_886 : i32 to index
        %get3A_995 = arith.constant 240 : index
        %get3A_996 = tpu.vector_load %arg6[%get3A_993, %get3A_994, %get3A_995] {strides = array<i32>} : memref<2x128x256xf32, #tpu.memory_space<vmem>>, vector<1x1x16xf32>,
        %get3A_997 = vector.shape_cast %get3A_996 : vector<1x1x16xf32> to vector<16xf32>
        %add3A_998 = arith.addf %scan3A_884, %get3A_997 : vector<16xf32>
        scf.yield %add3A_893, %add3A_900, %add3A_907, %add3A_914, %add3A_921, %add3A_928, %add3A_935, %add3A_942, %add3A_949, %add3A_956, %add3A_963, %add3A_970, %add3A_977, %add3A_984, %add3A_991, %add3A_998 : vector<16xf32>, vector<16xf32>, vector<16xf32>, vector<16xf32>, vector<16xf32>, vector<16xf32>, vector<16xf32>, vector<16xf32>, vector<16xf32>, vector<16xf32>, vector<16xf32>, vector<16xf32>, vector<16xf32>, vector<16xf32>, vector<16xf32>, vector<16xf32>
      }
      %scan3A_783 = arith.constant 49 : i32
      %mul3A_784 = arith.constant 2 : i32
      %mul3A_785 = arith.muli %mul3A_784, %add3A_444 : i32
      %add3A_786 = arith.constant 1 : i32
      %add3A_787 = arith.addi %mul3A_785, %add3A_786 : i32
      %swap3A_788 = arith.index_cast %add3A_787 : i32 to index
      %swap3A_789 = arith.constant 0 : index
      %swap3A_790 = tpu.vector_load %arg7[%swap3A_788, %swap3A_789] {strides = array<i32>} : memref<128x256xf32, #tpu.memory_space<vmem>>, vector<1x16xf32>,
      %swap3A_791 = vector.shape_cast %swap3A_790 : vector<1x16xf32> to vector<16xf32>
      %swap3A_792 = vector.shape_cast %scan3A_782#0 : vector<16xf32> to vector<1x16xf32>
      tpu.vector_store %arg7[%swap3A_788, %swap3A_789], %swap3A_792 {strides = array<i32>} : memref<128x256xf32, #tpu.memory_space<vmem>>, vector<1x16xf32>,
      %swap3A_793 = arith.index_cast %add3A_787 : i32 to index
      %swap3A_794 = arith.constant 16 : index
      %swap3A_795 = tpu.vector_load %arg7[%swap3A_793, %swap3A_794] {strides = array<i32>} : memref<128x256xf32, #tpu.memory_space<vmem>>, vector<1x16xf32>,
      %swap3A_796 = vector.shape_cast %swap3A_795 : vector<1x16xf32> to vector<16xf32>
      %swap3A_797 = vector.shape_cast %scan3A_782#1 : vector<16xf32> to vector<1x16xf32>
      tpu.vector_store %arg7[%swap3A_793, %swap3A_794], %swap3A_797 {strides = array<i32>} : memref<128x256xf32, #tpu.memory_space<vmem>>, vector<1x16xf32>,
      %swap3A_798 = arith.index_cast %add3A_787 : i32 to index
      %swap3A_799 = arith.constant 32 : index
      %swap3A_800 = tpu.vector_load %arg7[%swap3A_798, %swap3A_799] {strides = array<i32>} : memref<128x256xf32, #tpu.memory_space<vmem>>, vector<1x16xf32>,
      %swap3A_801 = vector.shape_cast %swap3A_800 : vector<1x16xf32> to vector<16xf32>
      %swap3A_802 = vector.shape_cast %scan3A_782#2 : vector<16xf32> to vector<1x16xf32>
      tpu.vector_store %arg7[%swap3A_798, %swap3A_799], %swap3A_802 {strides = array<i32>} : memref<128x256xf32, #tpu.memory_space<vmem>>, vector<1x16xf32>,
      %swap3A_803 = arith.index_cast %add3A_787 : i32 to index
      %swap3A_804 = arith.constant 48 : index
      %swap3A_805 = tpu.vector_load %arg7[%swap3A_803, %swap3A_804] {strides = array<i32>} : memref<128x256xf32, #tpu.memory_space<vmem>>, vector<1x16xf32>,
      %swap3A_806 = vector.shape_cast %swap3A_805 : vector<1x16xf32> to vector<16xf32>
      %swap3A_807 = vector.shape_cast %scan3A_782#3 : vector<16xf32> to vector<1x16xf32>
      tpu.vector_store %arg7[%swap3A_803, %swap3A_804], %swap3A_807 {strides = array<i32>} : memref<128x256xf32, #tpu.memory_space<vmem>>, vector<1x16xf32>,
      %swap3A_808 = arith.index_cast %add3A_787 : i32 to index
      %swap3A_809 = arith.constant 64 : index
      %swap3A_810 = tpu.vector_load %arg7[%swap3A_808, %swap3A_809] {strides = array<i32>} : memref<128x256xf32, #tpu.memory_space<vmem>>, vector<1x16xf32>,
      %swap3A_811 = vector.shape_cast %swap3A_810 : vector<1x16xf32> to vector<16xf32>
      %swap3A_812 = vector.shape_cast %scan3A_782#4 : vector<16xf32> to vector<1x16xf32>
      tpu.vector_store %arg7[%swap3A_808, %swap3A_809], %swap3A_812 {strides = array<i32>} : memref<128x256xf32, #tpu.memory_space<vmem>>, vector<1x16xf32>,
      %swap3A_813 = arith.index_cast %add3A_787 : i32 to index
      %swap3A_814 = arith.constant 80 : index
      %swap3A_815 = tpu.vector_load %arg7[%swap3A_813, %swap3A_814] {strides = array<i32>} : memref<128x256xf32, #tpu.memory_space<vmem>>, vector<1x16xf32>,
      %swap3A_816 = vector.shape_cast %swap3A_815 : vector<1x16xf32> to vector<16xf32>
      %swap3A_817 = vector.shape_cast %scan3A_782#5 : vector<16xf32> to vector<1x16xf32>
      tpu.vector_store %arg7[%swap3A_813, %swap3A_814], %swap3A_817 {strides = array<i32>} : memref<128x256xf32, #tpu.memory_space<vmem>>, vector<1x16xf32>,
      %swap3A_818 = arith.index_cast %add3A_787 : i32 to index
      %swap3A_819 = arith.constant 96 : index
      %swap3A_820 = tpu.vector_load %arg7[%swap3A_818, %swap3A_819] {strides = array<i32>} : memref<128x256xf32, #tpu.memory_space<vmem>>, vector<1x16xf32>,
      %swap3A_821 = vector.shape_cast %swap3A_820 : vector<1x16xf32> to vector<16xf32>
      %swap3A_822 = vector.shape_cast %scan3A_782#6 : vector<16xf32> to vector<1x16xf32>
      tpu.vector_store %arg7[%swap3A_818, %swap3A_819], %swap3A_822 {strides = array<i32>} : memref<128x256xf32, #tpu.memory_space<vmem>>, vector<1x16xf32>,
      %swap3A_823 = arith.index_cast %add3A_787 : i32 to index
      %swap3A_824 = arith.constant 112 : index
      %swap3A_825 = tpu.vector_load %arg7[%swap3A_823, %swap3A_824] {strides = array<i32>} : memref<128x256xf32, #tpu.memory_space<vmem>>, vector<1x16xf32>,
      %swap3A_826 = vector.shape_cast %swap3A_825 : vector<1x16xf32> to vector<16xf32>
      %swap3A_827 = vector.shape_cast %scan3A_782#7 : vector<16xf32> to vector<1x16xf32>
      tpu.vector_store %arg7[%swap3A_823, %swap3A_824], %swap3A_827 {strides = array<i32>} : memref<128x256xf32, #tpu.memory_space<vmem>>, vector<1x16xf32>,
      %swap3A_828 = arith.index_cast %add3A_787 : i32 to index
      %swap3A_829 = arith.constant 128 : index
      %swap3A_830 = tpu.vector_load %arg7[%swap3A_828, %swap3A_829] {strides = array<i32>} : memref<128x256xf32, #tpu.memory_space<vmem>>, vector<1x16xf32>,
      %swap3A_831 = vector.shape_cast %swap3A_830 : vector<1x16xf32> to vector<16xf32>
      %swap3A_832 = vector.shape_cast %scan3A_782#8 : vector<16xf32> to vector<1x16xf32>
      tpu.vector_store %arg7[%swap3A_828, %swap3A_829], %swap3A_832 {strides = array<i32>} : memref<128x256xf32, #tpu.memory_space<vmem>>, vector<1x16xf32>,
      %swap3A_833 = arith.index_cast %add3A_787 : i32 to index
      %swap3A_834 = arith.constant 144 : index
      %swap3A_835 = tpu.vector_load %arg7[%swap3A_833, %swap3A_834] {strides = array<i32>} : memref<128x256xf32, #tpu.memory_space<vmem>>, vector<1x16xf32>,
      %swap3A_836 = vector.shape_cast %swap3A_835 : vector<1x16xf32> to vector<16xf32>
      %swap3A_837 = vector.shape_cast %scan3A_782#9 : vector<16xf32> to vector<1x16xf32>
      tpu.vector_store %arg7[%swap3A_833, %swap3A_834], %swap3A_837 {strides = array<i32>} : memref<128x256xf32, #tpu.memory_space<vmem>>, vector<1x16xf32>,
      %swap3A_838 = arith.index_cast %add3A_787 : i32 to index
      %swap3A_839 = arith.constant 160 : index
      %swap3A_840 = tpu.vector_load %arg7[%swap3A_838, %swap3A_839] {strides = array<i32>} : memref<128x256xf32, #tpu.memory_space<vmem>>, vector<1x16xf32>,
      %swap3A_841 = vector.shape_cast %swap3A_840 : vector<1x16xf32> to vector<16xf32>
      %swap3A_842 = vector.shape_cast %scan3A_782#10 : vector<16xf32> to vector<1x16xf32>
      tpu.vector_store %arg7[%swap3A_838, %swap3A_839], %swap3A_842 {strides = array<i32>} : memref<128x256xf32, #tpu.memory_space<vmem>>, vector<1x16xf32>,
      %swap3A_843 = arith.index_cast %add3A_787 : i32 to index
      %swap3A_844 = arith.constant 176 : index
      %swap3A_845 = tpu.vector_load %arg7[%swap3A_843, %swap3A_844] {strides = array<i32>} : memref<128x256xf32, #tpu.memory_space<vmem>>, vector<1x16xf32>,
      %swap3A_846 = vector.shape_cast %swap3A_845 : vector<1x16xf32> to vector<16xf32>
      %swap3A_847 = vector.shape_cast %scan3A_782#11 : vector<16xf32> to vector<1x16xf32>
      tpu.vector_store %arg7[%swap3A_843, %swap3A_844], %swap3A_847 {strides = array<i32>} : memref<128x256xf32, #tpu.memory_space<vmem>>, vector<1x16xf32>,
      %swap3A_848 = arith.index_cast %add3A_787 : i32 to index
      %swap3A_849 = arith.constant 192 : index
      %swap3A_850 = tpu.vector_load %arg7[%swap3A_848, %swap3A_849] {strides = array<i32>} : memref<128x256xf32, #tpu.memory_space<vmem>>, vector<1x16xf32>,
      %swap3A_851 = vector.shape_cast %swap3A_850 : vector<1x16xf32> to vector<16xf32>
      %swap3A_852 = vector.shape_cast %scan3A_782#12 : vector<16xf32> to vector<1x16xf32>
      tpu.vector_store %arg7[%swap3A_848, %swap3A_849], %swap3A_852 {strides = array<i32>} : memref<128x256xf32, #tpu.memory_space<vmem>>, vector<1x16xf32>,
      %swap3A_853 = arith.index_cast %add3A_787 : i32 to index
      %swap3A_854 = arith.constant 208 : index
      %swap3A_855 = tpu.vector_load %arg7[%swap3A_853, %swap3A_854] {strides = array<i32>} : memref<128x256xf32, #tpu.memory_space<vmem>>, vector<1x16xf32>,
      %swap3A_856 = vector.shape_cast %swap3A_855 : vector<1x16xf32> to vector<16xf32>
      %swap3A_857 = vector.shape_cast %scan3A_782#13 : vector<16xf32> to vector<1x16xf32>
      tpu.vector_store %arg7[%swap3A_853, %swap3A_854], %swap3A_857 {strides = array<i32>} : memref<128x256xf32, #tpu.memory_space<vmem>>, vector<1x16xf32>,
      %swap3A_858 = arith.index_cast %add3A_787 : i32 to index
      %swap3A_859 = arith.constant 224 : index
      %swap3A_860 = tpu.vector_load %arg7[%swap3A_858, %swap3A_859] {strides = array<i32>} : memref<128x256xf32, #tpu.memory_space<vmem>>, vector<1x16xf32>,
      %swap3A_861 = vector.shape_cast %swap3A_860 : vector<1x16xf32> to vector<16xf32>
      %swap3A_862 = vector.shape_cast %scan3A_782#14 : vector<16xf32> to vector<1x16xf32>
      tpu.vector_store %arg7[%swap3A_858, %swap3A_859], %swap3A_862 {strides = array<i32>} : memref<128x256xf32, #tpu.memory_space<vmem>>, vector<1x16xf32>,
      %swap3A_863 = arith.index_cast %add3A_787 : i32 to index
      %swap3A_864 = arith.constant 240 : index
      %swap3A_865 = tpu.vector_load %arg7[%swap3A_863, %swap3A_864] {strides = array<i32>} : memref<128x256xf32, #tpu.memory_space<vmem>>, vector<1x16xf32>,
      %swap3A_866 = vector.shape_cast %swap3A_865 : vector<1x16xf32> to vector<16xf32>
      %swap3A_867 = vector.shape_cast %scan3A_782#15 : vector<16xf32> to vector<1x16xf32>
      tpu.vector_store %arg7[%swap3A_863, %swap3A_864], %swap3A_867 {strides = array<i32>} : memref<128x256xf32, #tpu.memory_space<vmem>>, vector<1x16xf32>,
    }
    %scan3A_16 = arith.constant 32 : i32
    %mul3A_17 = arith.constant 128 : i32
    %mul3A_18 = arith.muli %add3A, %mul3A_17 : i32
    "tpu.region"() ({
      %run_scoped3A = tpu.sem_alloc : memref<!tpu.dma_semaphore, #tpu.memory_space<semaphore_mem>>
      %dma_start3A_19 = arith.constant 0 : i32
      %dma_start3A_20 = tpu.memref_slice %arg4[%mul3A_18, %dma_start3A_19] : memref<4096x256xf32, #tpu.memory_space<hbm>> -> memref<128x256xf32, #tpu.memory_space<hbm>>
      %dma_start3A_21 = arith.constant 0 : i32
      %dma_start3A_22 = tpu.memref_slice %arg4[%mul3A_18, %dma_start3A_21] : memref<4096x256xf32, #tpu.memory_space<hbm>> -> memref<128x256xf32, #tpu.memory_space<hbm>>
      tpu.enqueue_dma source(%arg7 : memref<128x256xf32, #tpu.memory_space<vmem>>) target(%dma_start3A_22 : memref<128x256xf32, #tpu.memory_space<hbm>>) target_semaphore(%run_scoped3A : memref<!tpu.dma_semaphore, #tpu.memory_space<semaphore_mem>>)
      %dma_wait3A = arith.constant 0 : i32
      %dma_wait3A_23 = tpu.memref_slice %arg4[%mul3A_18, %dma_wait3A] : memref<4096x256xf32, #tpu.memory_space<hbm>> -> memref<128x256xf32, #tpu.memory_space<hbm>>
      %dma_wait3A_24 = arith.constant 0 : i32
      %dma_wait3A_25 = tpu.memref_slice %arg4[%mul3A_18, %dma_wait3A_24] : memref<4096x256xf32, #tpu.memory_space<hbm>> -> memref<128x256xf32, #tpu.memory_space<hbm>>
      tpu.wait_dma2 semaphore(%run_scoped3A : memref<!tpu.dma_semaphore, #tpu.memory_space<semaphore_mem>>) src(%arg7 : memref<128x256xf32, #tpu.memory_space<vmem>>) dst(%dma_wait3A_25 : memref<128x256xf32, #tpu.memory_space<hbm>>)
      tpu.yield
    }) : () -> ()
    return
  }
}

module attributes {stable_mosaic.version = 14 : i64} {
  func.func @body(%arg0: i32, %arg1: memref<1024x256xf32, #tpu.memory_space<vmem>>, %arg2: memref<1024x50xf32, #tpu.memory_space<vmem>>, %arg3: memref<128x256xf32, #tpu.memory_space<vmem>>, %arg4: memref<1x128xf32, #tpu.memory_space<vmem>>, %arg5: memref<2x128xf32, #tpu.memory_space<vmem>>, %arg6: memref<1x2xf32, #tpu.memory_space<vmem>>, %arg7: memref<1024x2xf32, #tpu.memory_space<vmem>>) attributes {dimension_semantics = [#tpu.dimension_semantics<arbitrary>], iteration_bounds = array<i64: 4>, scalar_prefetch = 0 : i64, scratch_operands = 0 : i64, tpu.core_type = #tpu.core_type<tc>, window_params = [{transform_indices = @transform_0, window_bounds = array<i64: 1024, 256>}, {transform_indices = @transform_1, window_bounds = array<i64: 1024, 50>}, {pipeline_mode = #tpu.pipeline_mode<synchronous>, transform_indices = @transform_2, window_bounds = array<i64: 128, 256>}, {pipeline_mode = #tpu.pipeline_mode<synchronous>, transform_indices = @transform_3, window_bounds = array<i64: 1, 128>}, {pipeline_mode = #tpu.pipeline_mode<synchronous>, transform_indices = @transform_4, window_bounds = array<i64: 2, 128>}, {pipeline_mode = #tpu.pipeline_mode<synchronous>, transform_indices = @transform_5, window_bounds = array<i64: 1, 2>}, {transform_indices = @transform_6, window_bounds = array<i64: 1024, 2>}]} {
    %get3A = arith.constant 0 : index
    %get3A_0 = arith.constant 0 : index
    %get3A_1 = vector.load %arg2[%get3A, %get3A_0] : memref<1024x50xf32, #tpu.memory_space<vmem>>, vector<1024x50xf32>
    %reduce_sum3A = arith.constant dense<0.000000e+00> : vector<1024xf32>
    %reduce_sum3A_2 = vector.multi_reduction <add>, %get3A_1, %reduce_sum3A [1] : vector<1024x50xf32> to vector<1024xf32>
    %broadcast_in_dim3A = vector.shape_cast %reduce_sum3A_2 : vector<1024xf32> to vector<1024x1xf32>
    %get3A_3 = arith.constant 0 : index
    %get3A_4 = arith.constant 0 : index
    %get3A_5 = vector.load %arg1[%get3A_3, %get3A_4] : memref<1024x256xf32, #tpu.memory_space<vmem>>, vector<1024x256xf32>
    %div3A = vector.broadcast %broadcast_in_dim3A : vector<1024x1xf32> to vector<1024x256xf32>
    %div3A_6 = arith.divf %get3A_5, %div3A : vector<1024x256xf32>
    %get3A_7 = arith.constant 0 : index
    %get3A_8 = arith.constant 0 : index
    %get3A_9 = vector.load %arg3[%get3A_7, %get3A_8] : memref<128x256xf32, #tpu.memory_space<vmem>>, vector<128x256xf32>
    %dot_general3A = arith.constant dense<0.000000e+00> : vector<1024x128xf32>
    %dot_general3A_10 = tpu.matmul %div3A_6, %get3A_9, %dot_general3A {dimension_numbers = #tpu.dot_dimension_numbers<[1], [1], [0], [0], [0, 0, 1, 0], [], []>, precision = #tpu.contract_precision<fp32>, transpose_lhs_hint = false} : vector<1024x256xf32>, vector<128x256xf32>, vector<1024x128xf32> -> vector<1024x128xf32>
    %get3A_11 = arith.constant 0 : index
    %get3A_12 = arith.constant 0 : index
    %get3A_13 = vector.load %arg4[%get3A_11, %get3A_12] : memref<1x128xf32, #tpu.memory_space<vmem>>, vector<1x128xf32>
    %add3A = vector.broadcast %get3A_13 : vector<1x128xf32> to vector<1024x128xf32>
    %add3A_14 = arith.addf %dot_general3A_10, %add3A : vector<1024x128xf32>
    %tanh3A = math.tanh %add3A_14 : vector<1024x128xf32>
    %get3A_15 = arith.constant 0 : index
    %get3A_16 = arith.constant 0 : index
    %get3A_17 = vector.load %arg5[%get3A_15, %get3A_16] : memref<2x128xf32, #tpu.memory_space<vmem>>, vector<2x128xf32>
    %dot_general3A_18 = arith.constant dense<0.000000e+00> : vector<1024x2xf32>
    %dot_general3A_19 = tpu.matmul %tanh3A, %get3A_17, %dot_general3A_18 {dimension_numbers = #tpu.dot_dimension_numbers<[1], [1], [0], [0], [0, 0, 1, 0], [], []>, precision = #tpu.contract_precision<fp32>, transpose_lhs_hint = false} : vector<1024x128xf32>, vector<2x128xf32>, vector<1024x2xf32> -> vector<1024x2xf32>
    %get3A_20 = arith.constant 0 : index
    %get3A_21 = arith.constant 0 : index
    %get3A_22 = vector.load %arg6[%get3A_20, %get3A_21] : memref<1x2xf32, #tpu.memory_space<vmem>>, vector<1x2xf32>
    %add3A_23 = vector.broadcast %get3A_22 : vector<1x2xf32> to vector<1024x2xf32>
    %add3A_24 = arith.addf %dot_general3A_19, %add3A_23 : vector<1024x2xf32>
    %swap3A = arith.constant 0 : index
    %swap3A_25 = arith.constant 0 : index
    %swap3A_26 = vector.load %arg7[%swap3A, %swap3A_25] : memref<1024x2xf32, #tpu.memory_space<vmem>>, vector<1024x2xf32>
    tpu.vector_store %arg7[%swap3A, %swap3A_25], %add3A_24 {strides = array<i32>} : memref<1024x2xf32, #tpu.memory_space<vmem>>, vector<1024x2xf32>,
    return
  }
  func.func @transform_0(%arg0: i32) -> (i32, i32) {
    %c0_i32 = arith.constant 0 : i32
    %c0_i32_0 = arith.constant 0 : i32
    return %arg0, %c0_i32 : i32, i32
  }
  func.func @transform_1(%arg0: i32) -> (i32, i32) {
    %c0_i32 = arith.constant 0 : i32
    %c0_i32_0 = arith.constant 0 : i32
    return %arg0, %c0_i32 : i32, i32
  }
  func.func @transform_2(%arg0: i32) -> (i32, i32) {
    %c0_i32 = arith.constant 0 : i32
    %c0_i32_0 = arith.constant 0 : i32
    %c0_i32_1 = arith.constant 0 : i32
    return %c0_i32, %c0_i32_0 : i32, i32
  }
  func.func @transform_3(%arg0: i32) -> (i32, i32) {
    %c0_i32 = arith.constant 0 : i32
    %c0_i32_0 = arith.constant 0 : i32
    %c0_i32_1 = arith.constant 0 : i32
    return %c0_i32, %c0_i32_0 : i32, i32
  }
  func.func @transform_4(%arg0: i32) -> (i32, i32) {
    %c0_i32 = arith.constant 0 : i32
    %c0_i32_0 = arith.constant 0 : i32
    %c0_i32_1 = arith.constant 0 : i32
    return %c0_i32, %c0_i32_0 : i32, i32
  }
  func.func @transform_5(%arg0: i32) -> (i32, i32) {
    %c0_i32 = arith.constant 0 : i32
    %c0_i32_0 = arith.constant 0 : i32
    %c0_i32_1 = arith.constant 0 : i32
    return %c0_i32, %c0_i32_0 : i32, i32
  }
  func.func @transform_6(%arg0: i32) -> (i32, i32) {
    %c0_i32 = arith.constant 0 : i32
    %c0_i32_0 = arith.constant 0 : i32
    return %arg0, %c0_i32 : i32, i32
  }
}

</mosaic_0001>

<sc_bundles>
// kernel: kernel.4.cloned.1.call-start
scs
__scs_entry_jumppad:
0x0: {  	(pc) =	sbr.rel $0x88, $3  }
0x1: {  	(tag) =	ssettag $0x0;
	lr =	simm.s32 $0x1  }
0x2: {  	[smem:$0x3F9A] =	sst lr;
	_ =	strace $0xD0000000  }
0x3: {  	_ = 	snop  }
0x4: {  	_ = 	snop  }
0x5: {  	_ = 	snop  }
0x6: {  	_ = 	snop  }
0x7: {  	_ = 	snop  }
__scs_overlays_trampoline_lowered:
0x8: {  	[smem:$0x3FA9] =	sst s0  }
0x9: {  	[smem:$0x3FAA] =	sst s1  }
0xa: {  	[smem:$0x3FAB] =	sst s2  }
0xb: {  	[smem:$0x3FAC] =	sst s3  }
0xc: {  	[smem:$0x3FAD] =	sst s4  }
0xd: {  	[smem:$0x3FAE] =	sst s5  }
0xe: {  	[smem:$0x3FAF] =	sst s6  }
0xf: {  	[smem:$0x3FB0] =	sst s7  }
0x10: {  	[smem:$0x3FB1] =	sst s8  }
0x11: {  	[smem:$0x3FB2] =	sst s9;
	s0 =	simm.s32 @!p0 $0x0  }
0x12: {  	s1 =	sld [smem:$0x3F98];
	s0 =	simm.s32 @p0 $0x1  }
0x13: {  	[smem:$0x3FB3] =	sst s0;
	s0 =	simm.s32 @!p1 $0x0  }
0x14: {  	s2 =	sld [smem:$0x3F97];
	s0 =	simm.s32 @p1 $0x1  }
0x15: {  	[smem:$0x3FB4] =	sst s0;
	s0 =	simm.s32 @!p2 $0x0  }
0x16: {  	s3 =	sld [smem:$0x3FDB];
	s0 =	simm.s32 @p2 $0x1  }
0x17: {  	s4 =	simm.s32 $0x1BF5;
	[smem:$0x3FB6] =	sst s0  }
0x18: {  	s0 =	sld [smem:$0x3F99];
	_ =	swait.ge [sflag:s4], $0x0  }
0x19: {  	s7 =	sld [smem:$0x3F9A]  }
0x1a: {  	s8 =	sadd.s32 $0xFFFFE003, lr  }
0x1b: {  	s9 =	sadd.s32 $0xFFFFFEF7, lr;
	s5 =	simm.s32 $0xFFFFFFFF;
	p2 =	slt.u32 s8, $0xFFFFF086  }
0x1c: {  	p1 =	slt.u32 s9, $0xF7A;
	s5 =	simm.s32 @!p2 $0x0  }
0x1d: {  	s5 =	simm.s32 @p1 $0x1;
	p0 =	seq.s32 s7, s2  }
0x1e: {  	s7 =	smul.u32 @!p0 $0xF7A, s2;
	p2 =	seq.s32 @!p0 s5, $0x0  }
0x1f: {  	s9 =	smul.u32 $0xF7A, s1;
	s8 =	simm.s32 @!p0 $0x1BF5;
	p2 =	por !p2, p0  }
0x20: {  	[sflag:s8] =	ssyncset.s32 @!p0 $0xFFFFF086;
	s6 =	sadd.s32 @!p0 s3, s7;
	s7 =	simm.s32 @!p0 $0x108  }
0x21: {  	s3 =	sadd.s32 s3, s9;
	s6 =	sadd.s32 @!p0 $0x88, s6;
	s7 =	simm.s32 @p2 $0x1082  }
0x22: {  	[simem:s7], [sflag:s8] =	dma.local @!p0 [hbm:s6], $0xF7A  }
0x23: {  	s9 =	sor.u32 $0xD0000000, s2;
	s6 =	simm.s32 $0x108;
	_ =	swait.ge @!p0 [sflag:s8], $0x0  }
0x24: {  	s3 =	sadd.s32 $0x88, s3;
	s6 =	simm.s32 @!p1 $0x1082;
	[sflag:s4] =	ssyncset.s32 $0xFFFFF086  }
0x25: {  	[simem:s6], [sflag:s4] =	dma.local [hbm:s3], $0xF7A  }
0x26: {  	[smem:$0x3F9A] =	sst s1;
	(tag) =	ssettag s2;
	_ =	strace s9  }
0x27: {  	s1 =	sld [smem:$0x3FAA]  }
0x28: {  	s2 =	sld [smem:$0x3FAB]  }
0x29: {  	s4 =	sld [smem:$0x3FAD]  }
0x2a: {  	p0 =	seq.s32 s5, $0x0;
	s5 =	sld [smem:$0x3FAE]  }
0x2b: {  	s6 =	sld [smem:$0x3FAF]  }
0x2c: {  	s7 =	sld [smem:$0x3FB0]  }
0x2d: {  	s3 =	simm.s32 $0x108;
	s8 =	sld [smem:$0x3FB1]  }
0x2e: {  	s3 =	simm.s32 @!p0 $0x1082;
	s9 =	sld [smem:$0x3FB2]  }
0x2f: {  	lr =	sadd.s32 s0, s3;
	s0 =	sld [smem:$0x3FA9]  }
0x30: {  	s3 =	sld [smem:$0x3FAC]  }
0x31: {  	[smem:$0x3FB5] =	sst s10  }
0x32: {  	s10 =	sld [smem:$0x3FB3];
	_ =	sdelay $0x3  }
0x33: {  	p0 =	seq.s32 s10, $0x1;
	s10 =	sld [smem:$0x3FB5];
	_ =	sdelay $0x3  }
0x34: {  	[smem:$0x3FB5] =	sst s10  }
0x35: {  	s10 =	sld [smem:$0x3FB4];
	_ =	sdelay $0x3  }
0x36: {  	p1 =	seq.s32 s10, $0x1;
	s10 =	sld [smem:$0x3FB5];
	_ =	sdelay $0x3  }
0x37: {  	[smem:$0x3FB5] =	sst s10  }
0x38: {  	s10 =	sld [smem:$0x3FB6]  }
0x39: {  	_ = 	snop;
	(pc) =	sbr.ind lr, $3  }
0x3a: {  	_ = 	snop  }
0x3b: {  	_ = 	snop  }
0x3c: {  	p2 =	seq.s32 s10, $0x1;
	s10 =	sld [smem:$0x3FB5]  }
0x3d: {  	_ =	shalt  }
0x3e: {  	_ =	shalt  }
0x3f: {  	_ =	shalt  }
0x40: {  	_ =	shalt  }
0x41: {  	_ =	shalt  }
0x42: {  	_ =	shalt  }
0x43: {  	_ =	shalt  }
0x44: {  	_ =	shalt  }
0x45: {  	_ =	shalt  }
0x46: {  	_ =	shalt  }
0x47: {  	_ =	shalt  }
0x48: {  	_ =	shalt  }
0x49: {  	_ =	shalt  }
0x4a: {  	_ =	shalt  }
0x4b: {  	_ =	shalt  }
0x4c: {  	_ =	shalt  }
0x4d: {  	_ =	shalt  }
0x4e: {  	_ =	shalt  }
0x4f: {  	_ =	shalt  }
0x50: {  	_ =	shalt  }
0x51: {  	_ =	shalt  }
0x52: {  	_ =	shalt  }
0x53: {  	_ =	shalt  }
0x54: {  	_ =	shalt  }
0x55: {  	_ =	shalt  }
0x56: {  	_ =	shalt  }
0x57: {  	_ =	shalt  }
0x58: {  	_ =	shalt  }
0x59: {  	_ =	shalt  }
0x5a: {  	_ =	shalt  }
0x5b: {  	_ =	shalt  }
0x5c: {  	_ =	shalt  }
0x5d: {  	_ =	shalt  }
0x5e: {  	_ =	shalt  }
0x5f: {  	_ =	shalt  }
0x60: {  	_ =	shalt  }
0x61: {  	_ =	shalt  }
0x62: {  	_ =	shalt  }
0x63: {  	_ =	shalt  }
0x64: {  	_ =	shalt  }
0x65: {  	_ =	shalt  }
0x66: {  	_ =	shalt  }
0x67: {  	_ =	shalt  }
0x68: {  	_ =	shalt  }
0x69: {  	_ =	shalt  }
0x6a: {  	_ =	shalt  }
0x6b: {  	_ =	shalt  }
0x6c: {  	_ =	shalt  }
0x6d: {  	_ =	shalt  }
0x6e: {  	_ =	shalt  }
0x6f: {  	_ =	shalt  }
0x70: {  	_ =	shalt  }
0x71: {  	_ =	shalt  }
0x72: {  	_ =	shalt  }
0x73: {  	_ =	shalt  }
0x74: {  	_ =	shalt  }
0x75: {  	_ =	shalt  }
0x76: {  	_ =	shalt  }
0x77: {  	_ =	shalt  }
0x78: {  	_ =	shalt  }
0x79: {  	_ =	shalt  }
0x7a: {  	_ =	shalt  }
0x7b: {  	_ =	shalt  }
0x7c: {  	_ =	shalt  }
0x7d: {  	_ =	shalt  }
0x7e: {  	_ =	shalt  }
0x7f: {  	_ =	shalt  }
0x80: {  	_ =	shalt  }
0x81: {  	_ =	shalt  }
0x82: {  	_ =	shalt  }
0x83: {  	_ =	shalt  }
0x84: {  	_ =	shalt  }
0x85: {  	_ =	shalt  }
0x86: {  	_ =	shalt  }
0x87: {  	_ =	shalt  }
.Lfunc_end0:
.L_simem_size_0:
called_computation_lowered:
.L_overlay_start_0:
0x88: {  	s2 =	sld [smem:$0x3FD9]  }
0x89: {  	s3 =	sld [smem:$0x3FFE];
	_ =	sdelay $0x1  }
0x8a: {  	s1 =	srdreg.scid  }
0x8b: {  	s0 =	sand.u32 $0x1, s1  }
0x8c: {  	s17 =	sshll.u32 s0, $0xA;
	s2 =	sadd.s32 s3, s2  }
0x8d: {  	s2 =	sadd.s32 s2, s17  }
0x8e: {  	[smem:$0x3FC1] =	sst s2  }
0x8f: {  	_ = 	snop  }
0x90: {  	s2 =	sld [smem:$0x3FC7];
	(tm) =	ssettm $0x1  }
0x91: {  	s18 =	sld [smem:$0x3FFB];
	_ =	sdelay $0x3  }
0x92: {  	_ =	strace s18  }
0x93: {  	s3 =	sld [smem:$0x3FFC];
	_ =	sdelay $0x3  }
0x94: {  	_ =	strace s3  }
0x95: {  	s3 =	sld [smem:$0x3FFD];
	_ =	sdelay $0x3  }
0x96: {  	_ =	strace s3  }
0x97: {  	_ =	strace $0x8FFFFFFF  }
0x98: {  	s19 =	sld [smem:$0x3FDB];
	_ =	sdelay $0x1  }
0x99: {  	s4 =	simm.s32 $_scs_section_size  }
0x9a: {  	s5 =	simm.s32 $_size__tile_overlayer_lowered;
	s6 =	simm.s32 $_tile_overlayer_lowered  }
0x9b: {  	s22 =	simm.s32 $0x1BFF;
	s21 =	sshll.u32 s6, $0x1;
	s3 =	sadd.s32 s4, s19  }
0x9c: {  	s7 =	simm.s32 $0x0;
	s20 =	sshll.u32 s5, $0x1;
	s5 =	sadd.s32 s21, s3  }
0x9d: {  	[timem:s7], [sflag:s22] =	dma.local [hbm:s5], s20  }
0x9e: {  	_ =	swait.ge [sflag:s22], s20  }
0x9f: {  	s4 =	ssub.s32 $0x0, s20;
	[sflag:s22] =	ssyncset.done $0x0  }
0xa0: {  	[sflag:s22] =	ssyncadd.s32 s4;
	_ =	sdelay $0x1  }
0xa1: {  	s23 =	simm.s32 $0x1B8B  }
0xa2: {  	_ =	swait.ge [sflag:s23], $0x1  }
0xa3: {  	[sflag:s23] =	ssyncset.done $0x0  }
0xa4: {  	s25 =	simm.s32 $0x1B8E;
	s24 =	sld [smem:$0x3FFE];
	[sflag:s23] =	ssyncadd.s32 $0xFFFFFFFF  }
0xa5: {  	s26 =	simm.s32 $execute0_lowered;
	[smem:$0x3FD2] =	sst s25  }
0xa6: {  	s5 =	sshll.u32 s26, $0x1;
	_ =	strace $0x80000046;
	[dreg:$0x1] =	wrdreg $0xFFFFFFFF  }
0xa7: {  	s28 =	simm.s32 $_size_execute0_lowered;
	s3 =	sadd.s32 s3, s5;
	[dreg:$0x0] =	wrdreg $0x0  }
0xa8: {  	s5 =	sshll.u32 s28, $0x1;
	[dreg:$0x2] =	wrdreg s3  }
0xa9: {  	[dreg:$0x3] =	wrdreg s5  }
0xaa: {  	[dreg:$0x4] =	wrdreg $0xC0  }
0xab: {  	_ =	task [dreg:s7], $0x5FFFF  }
0xac: {  	[dreg:$0x1] =	wrdreg $0xFFFFFFFF  }
0xad: {  	[dreg:$0x0] =	wrdreg $0x60  }
0xae: {  	[dreg:$0x2] =	wrdreg s2  }
0xaf: {  	[dreg:$0x3] =	wrdreg s24  }
0xb0: {  	[dreg:$0x4] =	wrdreg $0x9  }
0xb1: {  	_ =	task.clear_ibuf [dreg:s7], $0x5FFFF;
	_ =	strace $0x90000046  }
0xb2: {  	s29 =	simm.s32 $0x9;
	_ =	strace $0x80000048  }
0xb3: {  	_ =	swait.ge [sflag:s29], $0x1  }
0xb4: {  	[sflag:s29] =	ssyncadd.s32 $0xFFFFFFFF  }
0xb5: {  	_ =	strace $0x90000048  }
0xb6: {  	_ =	sfence  }
0xb7: {  	s30 =	sld [smem:$0x0];
	_ =	sdelay $0x2  }
0xb8: {  	s31 =	sshll.u32 s1, $0xD;
	s1 =	sshrl.u32 s1, $0x2  }
0xb9: {  	s3 =	sand.u32 $0x4000, s31;
	s1 =	sadd.s32 s1, s30  }
0xba: {  	s0 =	sor.u32 s3, s0;
	s1 =	sshll.u32 s1, $0x11  }
0xbb: {  	s0 =	sor.u32 s1, s0  }
0xbc: {  	s0 =	sadd.s32 $0x8F2B, s0  }
0xbd: {  	[sflag:s0] =	ssyncadd.remote.s32 $0x1  }
0xbe: {  	_ =	sfence.sel $0xFFFF  }
0xbf: {  	[dreg:$0x0] =	wrdreg $0xFFFFFFFF;
	(pc) =	sbr.abs _section_cstart, $3  }
0xc0: {  	[dreg:$0x1] =	wrdreg $0xFFFFFFFF  }
0xc1: {  	_ =	task.clear_ibuf [dreg:s7], $0x2FFFF;
	_ =	strace $0x9FFFFFFF  }
0xc2: {  	(tm) =	ssettm $0x7FFFFFFF  }
0xc3: {  	_ =	shalt  }
tec
execute0_lowered:
.L_overlay_start_1:
0x0: {  	(tag) =	ssettag $0x1  }
0x1: {  	s2 =	rddreg [dreg:$0x0]  }
0x2: {  	s0 =	rddreg [dreg:$0x1]  }
0x3: {  	s1 =	srdreg.scid;
	s4 =	stileid.u32;
	s3 =	simm.s32 $0x0  }
0x4: {  	s8 =	simm.s32 $0x3;
	s17 =	simm.s32 $0x6800;
	s18 =	simm.s32 $0x7000  }
0x5: {  	s19 =	simm.s32 $0x7800;
	s20 =	simm.s32 $0x8000;
	s21 =	simm.s32 $0xA000  }
0x6: {  	s22 =	simm.s32 $0xA800;
	s23 =	simm.s32 $0xB000;
	s24 =	simm.s32 $0xB800  }
0x7: {  	s28 =	simm.s32 $0xD000;
	s29 =	simm.s32 $0xD800;
	s30 =	simm.s32 $0xE000  }
0x8: {  	s31 =	simm.s32 $0xE800;
	s1 =	sand.u32 $0x1, s1;
	s4 =	sshll.u32 s4, $0x1  }
0x9: {  	s9 =	simm.s32 $0x0;
	[smem:$0x7FF] =	sst s3;
	s4 =	sor.u32 s1, s4  }
0xa: {  	_ =	strace $0x80000047;
	s1 =	ssub.s32 $0x2, s1;
	s5 =	sshll.u32 s4, $0xA  }
0xb: {  	s4 =	sshll.u32 s4, $0xC;
	s6 =	sshrl.u32 s1, $0x1;
	s5 =	sadd.s32 s5, s0  }
0xc: {  	s0 =	sadd.s32 s4, s0;
	s1 =	ssub.s32 s1, s6;
	s25 =	sadd.s32 $0x1000, s5  }
0xd: {  	s4 =	simm.s32 $0x10000;
	s0 =	sadd.s32 $0x9000, s0;
	[dreg:$0x3] =	wrdreg s25  }
0xe: {  	v2 =	vlaneseq.u32;
	s6 =	simm.s32 $0x2;
	s26 =	smax.u32 s1, $0x1;
	[dreg:$0x4] =	wrdreg s0  }
0xf: {  	vm0 =	vmmov $0xffff;
	v1 =	vshrl.u32 v2, $0x3;
	s1 =	simm.s32 $0xF800;
	s5 =	simm.s32 $0x1;
	[dreg:$0x5] =	wrdreg s26  }
0x10: {  	v0 =	vand.u32 $0x7, v2;
	v2 =	vor.u32 $0x8, v2;
	v1 =	vmul.u32 $0x8, v1;
	s25 =	simm.s32 $0xC000;
	s26 =	simm.s32 $0xC800;
	s0 =	simm.s32 $0xF000  }
.LBB2_1:
0x11: {  	[dreg:$0x6] =	wrdreg s9  }
0x12: {  	s7 =	rddreg [dreg:$0x3]  }
0x13: {  	[tilespmem:s3], [sflag:$0x3] =	stream.linear.gather [hbm4b:s7+s3], $0x2000, $0x38;
	[tilespmem:$0x1A000] =	vst v63  }
0x14: {  	_ =	swait.ge [sflag:s8], $0x2000  }
0x15: {  	[sflag:s8] =	ssyncset.done $0x0  }
0x16: {  	[sflag:s8] =	ssyncadd.s32 $0xFFFFE000  }
0x17: {  	v3 =	vld [tilespmem:$0x0];
	_ =	sdelay $0x4  }
0x18: {  	v4 =	vshll.u32 v3, $0x1  }
0x19: {  	v3 =	vand.u32 $0x7, v3;
	v4 =	vand.u32 $0xFFFFFFF0, v4  }
0x1a: {  	v3 =	vor.u32 v3, v4  }
0x1b: {  	v4 =	vperm.xlane v3, v0;
	_ =	sdelay $0x1  }
0x1c: {  	v3 =	vperm.xlane v3, v2;
	v4 =	vadd.s32 v1, v4;
	_ =	sdelay $0x1  }
0x1d: {  	v3 =	vadd.s32 v1, v3;
	_ =	sdelay $0x1  }
0x1e: {  	s8 =	simm.s32 $0x2000  }
0x1f: {  	[tilespmem:s8], [sflag:$0x1] =	stream.indirect_vreg.gather [hbm4b:s2+s3], $0x80, v4, vm0, $0xb8;
	[tilespmem:$0x1A000] =	vst v63  }
0x20: {  	s9 =	simm.s32 $0x2800  }
0x21: {  	[tilespmem:s9], [sflag:$0x1] =	stream.indirect_vreg.gather [hbm4b:s2+s3], $0x80, v3, vm0, $0xb8;
	[tilespmem:$0x1A000] =	vst v63  }
0x22: {  	v3 =	vld [tilespmem:$0x10];
	_ =	sdelay $0x4  }
0x23: {  	v58 =	vshll.u32 v3, $0x1  }
0x24: {  	v3 =	vand.u32 $0x7, v3;
	v4 =	vand.u32 $0xFFFFFFF0, v58  }
0x25: {  	v3 =	vor.u32 v3, v4  }
0x26: {  	v4 =	vperm.xlane v3, v0;
	_ =	sdelay $0x1  }
0x27: {  	v3 =	vperm.xlane v3, v2;
	v4 =	vadd.s32 v1, v4;
	_ =	sdelay $0x1  }
0x28: {  	v3 =	vadd.s32 v1, v3;
	_ =	sdelay $0x1  }
0x29: {  	s10 =	simm.s32 $0x3000  }
0x2a: {  	[tilespmem:s10], [sflag:$0x1] =	stream.indirect_vreg.gather [hbm4b:s2+s3], $0x80, v4, vm0, $0xb8;
	[tilespmem:$0x1A000] =	vst v63  }
0x2b: {  	s11 =	simm.s32 $0x3800  }
0x2c: {  	[tilespmem:s11], [sflag:$0x1] =	stream.indirect_vreg.gather [hbm4b:s2+s3], $0x80, v3, vm0, $0xb8;
	[tilespmem:$0x1A000] =	vst v63  }
0x2d: {  	v3 =	vld [tilespmem:$0x20];
	_ =	sdelay $0x4  }
0x2e: {  	v59 =	vshll.u32 v3, $0x1  }
0x2f: {  	v3 =	vand.u32 $0x7, v3;
	v4 =	vand.u32 $0xFFFFFFF0, v59  }
0x30: {  	v3 =	vor.u32 v3, v4  }
0x31: {  	v4 =	vperm.xlane v3, v0;
	_ =	sdelay $0x1  }
0x32: {  	v3 =	vperm.xlane v3, v2;
	v4 =	vadd.s32 v1, v4;
	_ =	sdelay $0x1  }
0x33: {  	v3 =	vadd.s32 v1, v3;
	_ =	sdelay $0x1  }
0x34: {  	s12 =	simm.s32 $0x4000  }
0x35: {  	[tilespmem:s12], [sflag:$0x1] =	stream.indirect_vreg.gather [hbm4b:s2+s3], $0x80, v4, vm0, $0xb8;
	[tilespmem:$0x1A000] =	vst v63  }
0x36: {  	s13 =	simm.s32 $0x4800  }
0x37: {  	[tilespmem:s13], [sflag:$0x1] =	stream.indirect_vreg.gather [hbm4b:s2+s3], $0x80, v3, vm0, $0xb8;
	[tilespmem:$0x1A000] =	vst v63  }
0x38: {  	v3 =	vld [tilespmem:$0x30];
	_ =	sdelay $0x4  }
0x39: {  	v60 =	vshll.u32 v3, $0x1  }
0x3a: {  	v3 =	vand.u32 $0x7, v3;
	v4 =	vand.u32 $0xFFFFFFF0, v60  }
0x3b: {  	v3 =	vor.u32 v3, v4  }
0x3c: {  	v4 =	vperm.xlane v3, v0;
	_ =	sdelay $0x1  }
0x3d: {  	v3 =	vperm.xlane v3, v2;
	v4 =	vadd.s32 v1, v4;
	_ =	sdelay $0x1  }
0x3e: {  	v3 =	vadd.s32 v1, v3;
	_ =	sdelay $0x1  }
0x3f: {  	s14 =	simm.s32 $0x5000  }
0x40: {  	[tilespmem:s14], [sflag:$0x1] =	stream.indirect_vreg.gather [hbm4b:s2+s3], $0x80, v4, vm0, $0xb8;
	[tilespmem:$0x1A000] =	vst v63  }
0x41: {  	s15 =	simm.s32 $0x5800  }
0x42: {  	[tilespmem:s15], [sflag:$0x1] =	stream.indirect_vreg.gather [hbm4b:s2+s3], $0x80, v3, vm0, $0xb8;
	[tilespmem:$0x1A000] =	vst v63  }
0x43: {  	v3 =	vld [tilespmem:$0x40];
	_ =	sdelay $0x4  }
0x44: {  	v61 =	vshll.u32 v3, $0x1  }
0x45: {  	v3 =	vand.u32 $0x7, v3;
	v4 =	vand.u32 $0xFFFFFFF0, v61  }
0x46: {  	v3 =	vor.u32 v3, v4  }
0x47: {  	v4 =	vperm.xlane v3, v0;
	_ =	sdelay $0x1  }
0x48: {  	v3 =	vperm.xlane v3, v2;
	v4 =	vadd.s32 v1, v4;
	_ =	sdelay $0x1  }
0x49: {  	v3 =	vadd.s32 v1, v3;
	_ =	sdelay $0x1  }
0x4a: {  	s16 =	simm.s32 $0x6000  }
0x4b: {  	[tilespmem:s16], [sflag:$0x1] =	stream.indirect_vreg.gather [hbm4b:s2+s3], $0x80, v4, vm0, $0xb8;
	[tilespmem:$0x1A000] =	vst v63  }
0x4c: {  	_ = 	snop  }
0x4d: {  	[tilespmem:s17], [sflag:$0x1] =	stream.indirect_vreg.gather [hbm4b:s2+s3], $0x80, v3, vm0, $0xb8;
	[tilespmem:$0x1A000] =	vst v63  }
0x4e: {  	v3 =	vld [tilespmem:$0x50];
	_ =	sdelay $0x4  }
0x4f: {  	v62 =	vshll.u32 v3, $0x1  }
0x50: {  	v3 =	vand.u32 $0x7, v3;
	v4 =	vand.u32 $0xFFFFFFF0, v62  }
0x51: {  	v3 =	vor.u32 v3, v4  }
0x52: {  	v4 =	vperm.xlane v3, v0;
	_ =	sdelay $0x1  }
0x53: {  	v3 =	vperm.xlane v3, v2;
	v4 =	vadd.s32 v1, v4;
	_ =	sdelay $0x1  }
0x54: {  	v3 =	vadd.s32 v1, v3;
	_ =	sdelay $0x2  }
0x55: {  	[tilespmem:s18], [sflag:$0x1] =	stream.indirect_vreg.gather [hbm4b:s2+s3], $0x80, v4, vm0, $0xb8;
	[tilespmem:$0x1A000] =	vst v63  }
0x56: {  	_ = 	snop  }
0x57: {  	[tilespmem:s19], [sflag:$0x1] =	stream.indirect_vreg.gather [hbm4b:s2+s3], $0x80, v3, vm0, $0xb8;
	[tilespmem:$0x1A000] =	vst v63  }
0x58: {  	v3 =	vld.msk [tilespmem:$0x60], $0xff;
	_ =	sdelay $0x4  }
0x59: {  	v63 =	vshll.u32 v3, $0x1  }
0x5a: {  	v3 =	vand.u32 $0x7, v3;
	v4 =	vand.u32 $0xFFFFFFF0, v63  }
0x5b: {  	v3 =	vor.u32 v3, v4  }
0x5c: {  	v3 =	vperm.xlane v3, v0;
	_ =	sdelay $0x1  }
0x5d: {  	v3 =	vadd.s32 v1, v3;
	_ =	sdelay $0x3  }
0x5e: {  	s7 =	simm.s32 $0x0  }
0x5f: {  	[tilespmem:s20], [sflag:$0x1] =	stream.indirect_vreg.gather [hbm4b:s2+s3], $0x80, v3, vm0, $0xb8;
	[tilespmem:$0x1A000] =	vst v63  }
.LBB2_2:
0x60: {  	s8 =	sshllo.u32 s7, $0x1  }
0x61: {  	s9 =	sshll.u32 s8, $0x7  }
0x62: {  	s9 =	sand.u32 $0x3FFFFF80, s9  }
0x63: {  	v3 =	vld [tilespmem:s9+$0x0];
	_ =	sdelay $0x4  }
0x64: {  	v4 =	vshll.u32 v3, $0x1  }
0x65: {  	v3 =	vand.u32 $0x7, v3;
	v4 =	vand.u32 $0xFFFFFFF0, v4  }
0x66: {  	v3 =	vor.u32 v3, v4  }
0x67: {  	v4 =	vperm.xlane v3, v0;
	_ =	sdelay $0x1  }
0x68: {  	v3 =	vperm.xlane v3, v2;
	v4 =	vadd.s32 v1, v4;
	_ =	sdelay $0x1  }
0x69: {  	v3 =	vadd.s32 v1, v3;
	_ =	sdelay $0x2  }
0x6a: {  	[tilespmem:s21], [sflag:$0x2] =	stream.indirect_vreg.gather [hbm4b:s2+s3], $0x80, v4, vm0, $0xb8;
	[tilespmem:$0x1A000] =	vst v63  }
0x6b: {  	_ = 	snop  }
0x6c: {  	[tilespmem:s22], [sflag:$0x2] =	stream.indirect_vreg.gather [hbm4b:s2+s3], $0x80, v3, vm0, $0xb8;
	[tilespmem:$0x1A000] =	vst v63  }
0x6d: {  	v3 =	vld [tilespmem:s9+$0x10];
	_ =	sdelay $0x4  }
0x6e: {  	v4 =	vshll.u32 v3, $0x1  }
0x6f: {  	v3 =	vand.u32 $0x7, v3;
	v4 =	vand.u32 $0xFFFFFFF0, v4  }
0x70: {  	v3 =	vor.u32 v3, v4  }
0x71: {  	v4 =	vperm.xlane v3, v0;
	_ =	sdelay $0x1  }
0x72: {  	v3 =	vperm.xlane v3, v2;
	v4 =	vadd.s32 v1, v4;
	_ =	sdelay $0x1  }
0x73: {  	v3 =	vadd.s32 v1, v3;
	_ =	sdelay $0x2  }
0x74: {  	[tilespmem:s23], [sflag:$0x2] =	stream.indirect_vreg.gather [hbm4b:s2+s3], $0x80, v4, vm0, $0xb8;
	[tilespmem:$0x1A000] =	vst v63  }
0x75: {  	_ = 	snop  }
0x76: {  	[tilespmem:s24], [sflag:$0x2] =	stream.indirect_vreg.gather [hbm4b:s2+s3], $0x80, v3, vm0, $0xb8;
	[tilespmem:$0x1A000] =	vst v63  }
0x77: {  	v3 =	vld [tilespmem:s9+$0x20];
	_ =	sdelay $0x4  }
0x78: {  	v4 =	vshll.u32 v3, $0x1  }
0x79: {  	v3 =	vand.u32 $0x7, v3;
	v4 =	vand.u32 $0xFFFFFFF0, v4  }
0x7a: {  	v3 =	vor.u32 v3, v4  }
0x7b: {  	v4 =	vperm.xlane v3, v0;
	_ =	sdelay $0x1  }
0x7c: {  	v3 =	vperm.xlane v3, v2;
	v4 =	vadd.s32 v1, v4;
	_ =	sdelay $0x1  }
0x7d: {  	v3 =	vadd.s32 v1, v3;
	_ =	sdelay $0x2  }
0x7e: {  	[tilespmem:s25], [sflag:$0x2] =	stream.indirect_vreg.gather [hbm4b:s2+s3], $0x80, v4, vm0, $0xb8;
	[tilespmem:$0x1A000] =	vst v63  }
0x7f: {  	_ = 	snop  }
0x80: {  	[tilespmem:s26], [sflag:$0x2] =	stream.indirect_vreg.gather [hbm4b:s2+s3], $0x80, v3, vm0, $0xb8;
	[tilespmem:$0x1A000] =	vst v63  }
0x81: {  	v3 =	vld [tilespmem:s9+$0x30];
	_ =	sdelay $0x4  }
0x82: {  	v4 =	vshll.u32 v3, $0x1  }
0x83: {  	v3 =	vand.u32 $0x7, v3;
	v4 =	vand.u32 $0xFFFFFFF0, v4  }
0x84: {  	v3 =	vor.u32 v3, v4  }
0x85: {  	v4 =	vperm.xlane v3, v0;
	_ =	sdelay $0x1  }
0x86: {  	v3 =	vperm.xlane v3, v2;
	v4 =	vadd.s32 v1, v4;
	_ =	sdelay $0x1  }
0x87: {  	v3 =	vadd.s32 v1, v3;
	_ =	sdelay $0x2  }
0x88: {  	[tilespmem:s28], [sflag:$0x2] =	stream.indirect_vreg.gather [hbm4b:s2+s3], $0x80, v4, vm0, $0xb8;
	[tilespmem:$0x1A000] =	vst v63  }
0x89: {  	_ = 	snop  }
0x8a: {  	[tilespmem:s29], [sflag:$0x2] =	stream.indirect_vreg.gather [hbm4b:s2+s3], $0x80, v3, vm0, $0xb8;
	[tilespmem:$0x1A000] =	vst v63  }
0x8b: {  	v3 =	vld [tilespmem:s9+$0x40];
	_ =	sdelay $0x4  }
0x8c: {  	v4 =	vshll.u32 v3, $0x1  }
0x8d: {  	v3 =	vand.u32 $0x7, v3;
	v4 =	vand.u32 $0xFFFFFFF0, v4  }
0x8e: {  	v3 =	vor.u32 v3, v4  }
0x8f: {  	v4 =	vperm.xlane v3, v0;
	_ =	sdelay $0x1  }
0x90: {  	v3 =	vperm.xlane v3, v2;
	v4 =	vadd.s32 v1, v4;
	_ =	sdelay $0x1  }
0x91: {  	v3 =	vadd.s32 v1, v3;
	_ =	sdelay $0x2  }
0x92: {  	[tilespmem:s30], [sflag:$0x2] =	stream.indirect_vreg.gather [hbm4b:s2+s3], $0x80, v4, vm0, $0xb8;
	[tilespmem:$0x1A000] =	vst v63  }
0x93: {  	_ = 	snop  }
0x94: {  	[tilespmem:s31], [sflag:$0x2] =	stream.indirect_vreg.gather [hbm4b:s2+s3], $0x80, v3, vm0, $0xb8;
	[tilespmem:$0x1A000] =	vst v63  }
0x95: {  	v3 =	vld [tilespmem:s9+$0x50];
	_ =	sdelay $0x4  }
0x96: {  	v4 =	vshll.u32 v3, $0x1  }
0x97: {  	v3 =	vand.u32 $0x7, v3;
	v4 =	vand.u32 $0xFFFFFFF0, v4  }
0x98: {  	v3 =	vor.u32 v3, v4  }
0x99: {  	v4 =	vperm.xlane v3, v0;
	_ =	sdelay $0x1  }
0x9a: {  	v3 =	vperm.xlane v3, v2;
	v4 =	vadd.s32 v1, v4;
	_ =	sdelay $0x1  }
0x9b: {  	v3 =	vadd.s32 v1, v3;
	_ =	sdelay $0x2  }
0x9c: {  	[tilespmem:s0], [sflag:$0x2] =	stream.indirect_vreg.gather [hbm4b:s2+s3], $0x80, v4, vm0, $0xb8;
	[tilespmem:$0x1A000] =	vst v63  }
0x9d: {  	s9 =	sor.u32 $0x60, s9  }
0x9e: {  	[tilespmem:s1], [sflag:$0x2] =	stream.indirect_vreg.gather [hbm4b:s2+s3], $0x80, v3, vm0, $0xb8;
	[tilespmem:$0x1A000] =	vst v63  }
0x9f: {  	v3 =	vld.msk [tilespmem:s9+$0x0], $0xff;
	_ =	sdelay $0x4  }
0xa0: {  	v4 =	vshll.u32 v3, $0x1  }
0xa1: {  	v3 =	vand.u32 $0x7, v3;
	v4 =	vand.u32 $0xFFFFFFF0, v4  }
0xa2: {  	v3 =	vor.u32 v3, v4  }
0xa3: {  	v3 =	vperm.xlane v3, v0;
	_ =	sdelay $0x1  }
0xa4: {  	v3 =	vadd.s32 v1, v3;
	_ =	sdelay $0x4  }
0xa5: {  	[tilespmem:s4], [sflag:$0x2] =	stream.indirect_vreg.gather [hbm4b:s2+s3], $0x80, v3, vm0, $0xb8;
	[tilespmem:$0x1A000] =	vst v63  }
0xa6: {  	_ =	swait.ge [sflag:s5], $0x6800  }
0xa7: {  	[sflag:s5] =	ssyncset.done $0x0  }
0xa8: {  	[sflag:s5] =	ssyncadd.s32 $0xFFFF9800  }
0xa9: {  	v10 =	vld [tilespmem:$0x2000]  }
0xaa: {  	v11 =	vld [tilespmem:$0x2010]  }
0xab: {  	v12 =	vld [tilespmem:$0x2020]  }
0xac: {  	v13 =	vld [tilespmem:$0x2030]  }
0xad: {  	v16 =	vld [tilespmem:$0x2040]  }
0xae: {  	v20 =	vld [tilespmem:$0x2050]  }
0xaf: {  	v23 =	vld [tilespmem:$0x2060]  }
0xb0: {  	v24 =	vld [tilespmem:$0x2070]  }
0xb1: {  	v25 =	vld [tilespmem:$0x2400]  }
0xb2: {  	v9 =	vld [tilespmem:$0x2410]  }
0xb3: {  	v8 =	vld [tilespmem:$0x2420]  }
0xb4: {  	v7 =	vld [tilespmem:$0x2430]  }
0xb5: {  	v5 =	vld [tilespmem:$0x2440]  }
0xb6: {  	s16 =	simm.s32 $0x100;
	s10 =	simm.s32 $0x80;
	v4 =	vld [tilespmem:$0x2450]  }
0xb7: {  	s10 =	sand.u32 $0x380, s10;
	s9 =	sand.u32 $0x3800, s16;
	v3 =	vld [tilespmem:$0x2460]  }
0xb8: {  	s9 =	sor.u32 s10, s9;
	v6 =	vld [tilespmem:$0x2470]  }
0xb9: {  	v14 =	vld [tilespmem:s9+$0x2470]  }
0xba: {  	v15 =	vld [tilespmem:s9+$0x2000]  }
0xbb: {  	v17 =	vld [tilespmem:s9+$0x2010]  }
0xbc: {  	v19 =	vld [tilespmem:s9+$0x2020]  }
0xbd: {  	v26 =	vld [tilespmem:s9+$0x2030]  }
0xbe: {  	v27 =	vld [tilespmem:s9+$0x2040]  }
0xbf: {  	v28 =	vld [tilespmem:s9+$0x2050]  }
0xc0: {  	v29 =	vld [tilespmem:s9+$0x2060]  }
0xc1: {  	v30 =	vld [tilespmem:s9+$0x2070]  }
0xc2: {  	v31 =	vld [tilespmem:s9+$0x2400]  }
0xc3: {  	v22 =	vld [tilespmem:s9+$0x2410];
	v6 =	vadd.f32 v14, v6;
	v18 =	vadd.f32 v15, v10  }
0xc4: {  	v21 =	vld [tilespmem:s9+$0x2420];
	v17 =	vadd.f32 v17, v11;
	v14 =	vadd.f32 v19, v12  }
0xc5: {  	v15 =	vadd.f32 v26, v13;
	v10 =	vadd.f32 v27, v16;
	v19 =	vld [tilespmem:s9+$0x2430]  }
0xc6: {  	s11 =	simm.s32 $0x200;
	s10 =	simm.s32 $0x100;
	v11 =	vadd.f32 v28, v20;
	v12 =	vadd.f32 v29, v23;
	v20 =	vld [tilespmem:s9+$0x2440]  }
0xc7: {  	s12 =	sand.u32 $0x3800, s11;
	s11 =	simm.s32 $0x300;
	s13 =	sand.u32 $0x380, s10;
	v13 =	vadd.f32 v30, v24;
	v16 =	vadd.f32 v31, v25;
	v23 =	vld [tilespmem:s9+$0x2450]  }
.LBB2_3:
0xc8: {  	p0 =	sne.s32 s11, $0x3100;
	v9 =	vadd.f32 v22, v9;
	v22 =	vld [tilespmem:s9+$0x2460];
	s9 =	sor.u32 s13, s12  }
0xc9: {  	v24 =	vld [tilespmem:s9+$0x2470];
	v8 =	vadd.f32 v21, v8  }
0xca: {  	v21 =	vld [tilespmem:s9+$0x2000];
	v7 =	vadd.f32 v19, v7  }
0xcb: {  	v19 =	vld [tilespmem:s9+$0x2010];
	v5 =	vadd.f32 v20, v5  }
0xcc: {  	v20 =	vld [tilespmem:s9+$0x2020];
	v4 =	vadd.f32 v23, v4  }
0xcd: {  	v23 =	vld [tilespmem:s9+$0x2030];
	v3 =	vadd.f32 v22, v3  }
0xce: {  	v22 =	vld [tilespmem:s9+$0x2040];
	v6 =	vadd.f32 v24, v6  }
0xcf: {  	v18 =	vadd.f32 v21, v18;
	v21 =	vld [tilespmem:s9+$0x2050]  }
0xd0: {  	v17 =	vadd.f32 v19, v17;
	v19 =	vld [tilespmem:s9+$0x2060]  }
0xd1: {  	v14 =	vadd.f32 v20, v14;
	v20 =	vld [tilespmem:s9+$0x2070]  }
0xd2: {  	v15 =	vadd.f32 v23, v15;
	v23 =	vld [tilespmem:s9+$0x2400]  }
.Ltmp0:
0xd3: {  	v10 =	vadd.f32 v22, v10;
	v22 =	vld [tilespmem:s9+$0x2410];
	(pc) =	sbr.rel @p0 .LBB2_3-.Ltmp0, $4  }
0xd4: {  	v11 =	vadd.f32 v21, v11;
	v21 =	vld [tilespmem:s9+$0x2420]  }
0xd5: {  	v12 =	vadd.f32 v19, v12;
	v19 =	vld [tilespmem:s9+$0x2430]  }
0xd6: {  	s10 =	sadd.s32 $0x80, s10;
	v13 =	vadd.f32 v20, v13;
	v20 =	vld [tilespmem:s9+$0x2440]  }
0xd7: {  	s12 =	sand.u32 $0x3800, s11;
	s11 =	sadd.s32 $0x100, s11;
	s13 =	sand.u32 $0x380, s10;
	v16 =	vadd.f32 v23, v16;
	v23 =	vld [tilespmem:s9+$0x2450]  }
0xd8: {  	s12 =	sor.u32 s13, s12;
	v24 =	vld [tilespmem:s9+$0x2460]  }
0xd9: {  	v25 =	vld [tilespmem:s12+$0x2470]  }
0xda: {  	v26 =	vld [tilespmem:s12+$0x2000]  }
0xdb: {  	v27 =	vld [tilespmem:s12+$0x2010]  }
0xdc: {  	v28 =	vld [tilespmem:s12+$0x2020]  }
0xdd: {  	v29 =	vld [tilespmem:s12+$0x2030]  }
0xde: {  	v30 =	vld [tilespmem:s12+$0x2040]  }
0xdf: {  	v31 =	vld [tilespmem:s12+$0x2050]  }
0xe0: {  	v32 =	vld [tilespmem:s12+$0x2060]  }
0xe1: {  	v33 =	vld [tilespmem:s12+$0x2070]  }
0xe2: {  	v34 =	vld [tilespmem:s12+$0x2400]  }
0xe3: {  	v35 =	vld [tilespmem:s12+$0x2410]  }
0xe4: {  	s9 =	sshll.u32 s7, $0xA;
	v36 =	vld [tilespmem:s12+$0x2420]  }
0xe5: {  	s10 =	sshll.u32 s7, $0x9;
	v37 =	vld [tilespmem:s12+$0x2430];
	s14 =	sand.u32 $0x7800, s9  }
0xe6: {  	v38 =	vld [tilespmem:s12+$0x2440];
	s11 =	sand.u32 $0x200, s10;
	s10 =	sadd.s32 $0x12000, s14;
	v18 =	vadd.f32 v26, v18  }
0xe7: {  	v54 =	vld [tilespmem:s12+$0x2450];
	s15 =	sor.u32 s11, s10;
	v17 =	vadd.f32 v27, v17  }
0xe8: {  	v55 =	vld [tilespmem:s12+$0x2460];
	v14 =	vadd.f32 v28, v14;
	[tilespmem:s15+$0x0] =	vst v18  }
0xe9: {  	v15 =	vadd.f32 v29, v15;
	[tilespmem:s15+$0x10] =	vst v17  }
0xea: {  	v10 =	vadd.f32 v30, v10;
	[tilespmem:s15+$0x20] =	vst v14  }
0xeb: {  	v11 =	vadd.f32 v31, v11;
	[tilespmem:s15+$0x30] =	vst v15  }
0xec: {  	v12 =	vadd.f32 v32, v12;
	[tilespmem:s15+$0x40] =	vst v10  }
0xed: {  	v9 =	vadd.f32 v22, v9;
	v10 =	vadd.f32 v33, v13;
	[tilespmem:s15+$0x50] =	vst v11  }
0xee: {  	v8 =	vadd.f32 v21, v8;
	s13 =	sor.u32 s9, s11;
	v11 =	vadd.f32 v34, v16;
	[tilespmem:s15+$0x60] =	vst v12  }
0xef: {  	v7 =	vadd.f32 v19, v7;
	s16 =	sor.u32 $0x400, s13;
	v9 =	vadd.f32 v35, v9;
	[tilespmem:s15+$0x70] =	vst v10  }
0xf0: {  	v5 =	vadd.f32 v20, v5;
	s14 =	sor.u32 $0x410, s13;
	v8 =	vadd.f32 v36, v8;
	[tilespmem:s16+$0x12000] =	vst v11  }
0xf1: {  	v4 =	vadd.f32 v23, v4;
	v7 =	vadd.f32 v37, v7;
	s15 =	sor.u32 $0x420, s13;
	[tilespmem:s14+$0x12000] =	vst v9  }
0xf2: {  	v3 =	vadd.f32 v24, v3;
	v5 =	vadd.f32 v38, v5;
	s16 =	sor.u32 $0x430, s13;
	[tilespmem:s15+$0x12000] =	vst v8  }
0xf3: {  	v4 =	vadd.f32 v54, v4;
	s14 =	sor.u32 $0x440, s13;
	[tilespmem:s16+$0x12000] =	vst v7  }
0xf4: {  	v3 =	vadd.f32 v55, v3;
	s15 =	sor.u32 $0x450, s13;
	[tilespmem:s14+$0x12000] =	vst v5  }
0xf5: {  	s16 =	sor.u32 $0x460, s13;
	v5 =	vadd.f32 v25, v6;
	[tilespmem:s15+$0x12000] =	vst v4  }
0xf6: {  	s14 =	sor.u32 $0x470, s13;
	[tilespmem:s16+$0x12000] =	vst v3  }
0xf7: {  	[tilespmem:s14+$0x12000] =	vst v5  }
0xf8: {  	v10 =	vld [tilespmem:$0x5100]  }
0xf9: {  	v11 =	vld [tilespmem:$0x5110]  }
0xfa: {  	v12 =	vld [tilespmem:$0x5120]  }
0xfb: {  	v13 =	vld [tilespmem:$0x5130]  }
0xfc: {  	v16 =	vld [tilespmem:$0x5140]  }
0xfd: {  	v20 =	vld [tilespmem:$0x5150]  }
0xfe: {  	v23 =	vld [tilespmem:$0x5160]  }
0xff: {  	v56 =	vld [tilespmem:$0x5170]  }
0x100: {  	v57 =	vld [tilespmem:$0x5500]  }
0x101: {  	v9 =	vld [tilespmem:$0x5510]  }
0x102: {  	v8 =	vld [tilespmem:$0x5520]  }
0x103: {  	v7 =	vld [tilespmem:$0x5530]  }
0x104: {  	v5 =	vld [tilespmem:$0x5540]  }
0x105: {  	s15 =	simm.s32 $0x3300;
	s16 =	simm.s32 $0x1980;
	v4 =	vld [tilespmem:$0x5550]  }
0x106: {  	s12 =	sand.u32 $0x7800, s15;
	s13 =	sand.u32 $0x380, s16;
	v3 =	vld [tilespmem:$0x5560]  }
0x107: {  	v6 =	vld [tilespmem:$0x5570];
	s12 =	sor.u32 s13, s12  }
0x108: {  	v14 =	vld [tilespmem:s12+$0x2470]  }
0x109: {  	v15 =	vld [tilespmem:s12+$0x2000]  }
0x10a: {  	v17 =	vld [tilespmem:s12+$0x2010]  }
0x10b: {  	v19 =	vld [tilespmem:s12+$0x2020]  }
0x10c: {  	v58 =	vld [tilespmem:s12+$0x2030]  }
0x10d: {  	v59 =	vld [tilespmem:s12+$0x2040]  }
0x10e: {  	v60 =	vld [tilespmem:s12+$0x2050]  }
0x10f: {  	v61 =	vld [tilespmem:s12+$0x2060]  }
0x110: {  	v62 =	vld [tilespmem:s12+$0x2070]  }
0x111: {  	v63 =	vld [tilespmem:s12+$0x2400]  }
0x112: {  	v22 =	vld [tilespmem:s12+$0x2410];
	v6 =	vadd.f32 v14, v6;
	v18 =	vadd.f32 v15, v10  }
0x113: {  	v21 =	vld [tilespmem:s12+$0x2420];
	v17 =	vadd.f32 v17, v11;
	v14 =	vadd.f32 v19, v12  }
0x114: {  	v15 =	vadd.f32 v58, v13;
	v10 =	vadd.f32 v59, v16;
	v19 =	vld [tilespmem:s12+$0x2430]  }
0x115: {  	s14 =	simm.s32 $0x3400;
	s13 =	simm.s32 $0x1A00;
	v11 =	vadd.f32 v60, v20;
	v12 =	vadd.f32 v61, v23;
	v20 =	vld [tilespmem:s12+$0x2440]  }
0x116: {  	s15 =	sand.u32 $0x7800, s14;
	s14 =	simm.s32 $0x3500;
	s16 =	sand.u32 $0x380, s13;
	v13 =	vadd.f32 v62, v56;
	v16 =	vadd.f32 v63, v57;
	v23 =	vld [tilespmem:s12+$0x2450]  }
.LBB2_5:
0x117: {  	p0 =	sne.s32 s14, $0x6300;
	v9 =	vadd.f32 v22, v9;
	v22 =	vld [tilespmem:s12+$0x2460];
	s12 =	sor.u32 s16, s15  }
0x118: {  	v24 =	vld [tilespmem:s12+$0x2470];
	v8 =	vadd.f32 v21, v8  }
0x119: {  	v21 =	vld [tilespmem:s12+$0x2000];
	v7 =	vadd.f32 v19, v7  }
0x11a: {  	v19 =	vld [tilespmem:s12+$0x2010];
	v5 =	vadd.f32 v20, v5  }
0x11b: {  	v20 =	vld [tilespmem:s12+$0x2020];
	v4 =	vadd.f32 v23, v4  }
0x11c: {  	v23 =	vld [tilespmem:s12+$0x2030];
	v3 =	vadd.f32 v22, v3  }
0x11d: {  	v22 =	vld [tilespmem:s12+$0x2040];
	v6 =	vadd.f32 v24, v6  }
0x11e: {  	v18 =	vadd.f32 v21, v18;
	v21 =	vld [tilespmem:s12+$0x2050]  }
0x11f: {  	v17 =	vadd.f32 v19, v17;
	v19 =	vld [tilespmem:s12+$0x2060]  }
0x120: {  	v14 =	vadd.f32 v20, v14;
	v20 =	vld [tilespmem:s12+$0x2070]  }
0x121: {  	v15 =	vadd.f32 v23, v15;
	v23 =	vld [tilespmem:s12+$0x2400]  }
.Ltmp1:
0x122: {  	v10 =	vadd.f32 v22, v10;
	v22 =	vld [tilespmem:s12+$0x2410];
	(pc) =	sbr.rel @p0 .LBB2_5-.Ltmp1, $4  }
0x123: {  	v11 =	vadd.f32 v21, v11;
	v21 =	vld [tilespmem:s12+$0x2420]  }
0x124: {  	v12 =	vadd.f32 v19, v12;
	v19 =	vld [tilespmem:s12+$0x2430]  }
0x125: {  	s13 =	sadd.s32 $0x80, s13;
	v13 =	vadd.f32 v20, v13;
	v20 =	vld [tilespmem:s12+$0x2440]  }
0x126: {  	s15 =	sand.u32 $0x7800, s14;
	s14 =	sadd.s32 $0x100, s14;
	s16 =	sand.u32 $0x380, s13;
	v16 =	vadd.f32 v23, v16;
	v23 =	vld [tilespmem:s12+$0x2450]  }
0x127: {  	s13 =	sor.u32 s16, s15  }
0x128: {  	v25 =	vld [tilespmem:s13+$0x2470]  }
0x129: {  	v26 =	vld [tilespmem:s13+$0x2000]  }
0x12a: {  	v27 =	vld [tilespmem:s13+$0x2010]  }
0x12b: {  	v28 =	vld [tilespmem:s13+$0x2020]  }
0x12c: {  	v29 =	vld [tilespmem:s13+$0x2030]  }
0x12d: {  	v30 =	vld [tilespmem:s13+$0x2040]  }
0x12e: {  	v31 =	vld [tilespmem:s13+$0x2050]  }
0x12f: {  	v32 =	vld [tilespmem:s13+$0x2060]  }
0x130: {  	v33 =	vld [tilespmem:s13+$0x2070]  }
0x131: {  	v34 =	vld [tilespmem:s13+$0x2400]  }
0x132: {  	v35 =	vld [tilespmem:s13+$0x2410]  }
0x133: {  	v36 =	vld [tilespmem:s13+$0x2420]  }
0x134: {  	v37 =	vld [tilespmem:s13+$0x2430]  }
0x135: {  	v38 =	vld [tilespmem:s13+$0x2440]  }
0x136: {  	s11 =	sor.u32 $0x80, s11;
	v59 =	vld [tilespmem:s13+$0x2450];
	v18 =	vadd.f32 v26, v18  }
0x137: {  	v60 =	vld [tilespmem:s13+$0x2460];
	s13 =	sadd.s32 s11, s10;
	v17 =	vadd.f32 v27, v17  }
0x138: {  	v24 =	vld [tilespmem:s12+$0x2460];
	v14 =	vadd.f32 v28, v14;
	[tilespmem:s13+$0x0] =	vst v18  }
0x139: {  	v15 =	vadd.f32 v29, v15;
	[tilespmem:s13+$0x10] =	vst v17  }
0x13a: {  	v10 =	vadd.f32 v30, v10;
	[tilespmem:s13+$0x20] =	vst v14  }
0x13b: {  	v11 =	vadd.f32 v31, v11;
	[tilespmem:s13+$0x30] =	vst v15  }
0x13c: {  	v12 =	vadd.f32 v32, v12;
	[tilespmem:s13+$0x40] =	vst v10  }
0x13d: {  	v9 =	vadd.f32 v22, v9;
	v61 =	vadd.f32 v33, v13;
	[tilespmem:s13+$0x50] =	vst v11  }
0x13e: {  	v8 =	vadd.f32 v21, v8;
	s11 =	sor.u32 s9, s11;
	v62 =	vadd.f32 v34, v16;
	[tilespmem:s13+$0x60] =	vst v12  }
0x13f: {  	v7 =	vadd.f32 v19, v7;
	s14 =	sor.u32 $0x400, s11;
	v9 =	vadd.f32 v35, v9;
	[tilespmem:s13+$0x70] =	vst v61  }
0x140: {  	s15 =	sor.u32 $0x410, s11;
	v5 =	vadd.f32 v20, v5;
	v8 =	vadd.f32 v36, v8;
	[tilespmem:s14+$0x12000] =	vst v62  }
0x141: {  	s16 =	sor.u32 $0x420, s11;
	v4 =	vadd.f32 v23, v4;
	v7 =	vadd.f32 v37, v7;
	[tilespmem:s15+$0x12000] =	vst v9  }
0x142: {  	p0 =	seq.s32 s7, $0x1F;
	v3 =	vadd.f32 v24, v3;
	v5 =	vadd.f32 v38, v5;
	s13 =	sor.u32 $0x430, s11;
	[tilespmem:s16+$0x12000] =	vst v8  }
.Ltmp2:
0x143: {  	v4 =	vadd.f32 v59, v4;
	s14 =	sor.u32 $0x440, s11;
	[tilespmem:s13+$0x12000] =	vst v7;
	(pc) =	sbr.rel @p0 .LBB2_8-.Ltmp2, $4  }
0x144: {  	v3 =	vadd.f32 v60, v3;
	s15 =	sor.u32 $0x450, s11;
	[tilespmem:s14+$0x12000] =	vst v5  }
0x145: {  	v63 =	vadd.f32 v25, v6;
	s16 =	sor.u32 $0x460, s11;
	[tilespmem:s15+$0x12000] =	vst v4  }
0x146: {  	s11 =	sor.u32 $0x470, s11;
	[tilespmem:s16+$0x12000] =	vst v3  }
0x147: {  	[tilespmem:s11+$0x12000] =	vst v63  }
0x148: {  	s11 =	sshrl.u32 s9, $0x2  }
0x149: {  	v3 =	vld [tilespmem:s11+$0x100];
	_ =	sdelay $0x4  }
0x14a: {  	v4 =	vshll.u32 v3, $0x1  }
0x14b: {  	v3 =	vand.u32 $0x7, v3;
	v4 =	vand.u32 $0xFFFFFFF0, v4  }
0x14c: {  	v3 =	vor.u32 v3, v4  }
0x14d: {  	v4 =	vperm.xlane v3, v0;
	_ =	sdelay $0x1  }
0x14e: {  	v3 =	vperm.xlane v3, v2;
	v4 =	vadd.s32 v1, v4;
	_ =	sdelay $0x1  }
0x14f: {  	v3 =	vadd.s32 v1, v3;
	_ =	sdelay $0x1  }
0x150: {  	s12 =	simm.s32 $0x2000  }
0x151: {  	[tilespmem:s12], [sflag:$0x1] =	stream.indirect_vreg.gather [hbm4b:s2+s3], $0x80, v4, vm0, $0xb8;
	[tilespmem:$0x1A000] =	vst v63  }
0x152: {  	s13 =	simm.s32 $0x2800  }
0x153: {  	[tilespmem:s13], [sflag:$0x1] =	stream.indirect_vreg.gather [hbm4b:s2+s3], $0x80, v3, vm0, $0xb8;
	[tilespmem:$0x1A000] =	vst v63  }
0x154: {  	v3 =	vld [tilespmem:s11+$0x110];
	_ =	sdelay $0x4  }
0x155: {  	v58 =	vshll.u32 v3, $0x1  }
0x156: {  	v3 =	vand.u32 $0x7, v3;
	v4 =	vand.u32 $0xFFFFFFF0, v58  }
0x157: {  	v3 =	vor.u32 v3, v4  }
0x158: {  	v4 =	vperm.xlane v3, v0;
	_ =	sdelay $0x1  }
0x159: {  	v3 =	vperm.xlane v3, v2;
	v4 =	vadd.s32 v1, v4;
	_ =	sdelay $0x1  }
0x15a: {  	v3 =	vadd.s32 v1, v3;
	_ =	sdelay $0x1  }
0x15b: {  	s14 =	simm.s32 $0x3000  }
0x15c: {  	[tilespmem:s14], [sflag:$0x1] =	stream.indirect_vreg.gather [hbm4b:s2+s3], $0x80, v4, vm0, $0xb8;
	[tilespmem:$0x1A000] =	vst v63  }
0x15d: {  	s15 =	simm.s32 $0x3800  }
0x15e: {  	[tilespmem:s15], [sflag:$0x1] =	stream.indirect_vreg.gather [hbm4b:s2+s3], $0x80, v3, vm0, $0xb8;
	[tilespmem:$0x1A000] =	vst v63  }
0x15f: {  	v3 =	vld [tilespmem:s11+$0x120];
	_ =	sdelay $0x4  }
0x160: {  	v59 =	vshll.u32 v3, $0x1  }
0x161: {  	v3 =	vand.u32 $0x7, v3;
	v4 =	vand.u32 $0xFFFFFFF0, v59  }
0x162: {  	v3 =	vor.u32 v3, v4  }
0x163: {  	v4 =	vperm.xlane v3, v0;
	_ =	sdelay $0x1  }
0x164: {  	v3 =	vperm.xlane v3, v2;
	v4 =	vadd.s32 v1, v4;
	_ =	sdelay $0x1  }
0x165: {  	v3 =	vadd.s32 v1, v3;
	_ =	sdelay $0x1  }
0x166: {  	s16 =	simm.s32 $0x4000  }
0x167: {  	[tilespmem:s16], [sflag:$0x1] =	stream.indirect_vreg.gather [hbm4b:s2+s3], $0x80, v4, vm0, $0xb8;
	[tilespmem:$0x1A000] =	vst v63  }
0x168: {  	s13 =	simm.s32 $0x4800  }
0x169: {  	[tilespmem:s13], [sflag:$0x1] =	stream.indirect_vreg.gather [hbm4b:s2+s3], $0x80, v3, vm0, $0xb8;
	[tilespmem:$0x1A000] =	vst v63  }
0x16a: {  	v3 =	vld [tilespmem:s11+$0x130];
	_ =	sdelay $0x4  }
0x16b: {  	v60 =	vshll.u32 v3, $0x1  }
0x16c: {  	v3 =	vand.u32 $0x7, v3;
	v4 =	vand.u32 $0xFFFFFFF0, v60  }
0x16d: {  	v3 =	vor.u32 v3, v4  }
0x16e: {  	v4 =	vperm.xlane v3, v0;
	_ =	sdelay $0x1  }
0x16f: {  	v3 =	vperm.xlane v3, v2;
	v4 =	vadd.s32 v1, v4;
	_ =	sdelay $0x1  }
0x170: {  	v3 =	vadd.s32 v1, v3;
	_ =	sdelay $0x1  }
0x171: {  	s14 =	simm.s32 $0x5000  }
0x172: {  	[tilespmem:s14], [sflag:$0x1] =	stream.indirect_vreg.gather [hbm4b:s2+s3], $0x80, v4, vm0, $0xb8;
	[tilespmem:$0x1A000] =	vst v63  }
0x173: {  	s15 =	simm.s32 $0x5800  }
0x174: {  	[tilespmem:s15], [sflag:$0x1] =	stream.indirect_vreg.gather [hbm4b:s2+s3], $0x80, v3, vm0, $0xb8;
	[tilespmem:$0x1A000] =	vst v63  }
0x175: {  	v3 =	vld [tilespmem:s11+$0x140];
	_ =	sdelay $0x4  }
0x176: {  	v61 =	vshll.u32 v3, $0x1  }
0x177: {  	v3 =	vand.u32 $0x7, v3;
	v4 =	vand.u32 $0xFFFFFFF0, v61  }
0x178: {  	v3 =	vor.u32 v3, v4  }
0x179: {  	v4 =	vperm.xlane v3, v0;
	_ =	sdelay $0x1  }
0x17a: {  	v3 =	vperm.xlane v3, v2;
	v4 =	vadd.s32 v1, v4;
	_ =	sdelay $0x1  }
0x17b: {  	v3 =	vadd.s32 v1, v3;
	_ =	sdelay $0x1  }
0x17c: {  	s16 =	simm.s32 $0x6000  }
0x17d: {  	[tilespmem:s16], [sflag:$0x1] =	stream.indirect_vreg.gather [hbm4b:s2+s3], $0x80, v4, vm0, $0xb8;
	[tilespmem:$0x1A000] =	vst v63  }
0x17e: {  	_ = 	snop  }
0x17f: {  	[tilespmem:s17], [sflag:$0x1] =	stream.indirect_vreg.gather [hbm4b:s2+s3], $0x80, v3, vm0, $0xb8;
	[tilespmem:$0x1A000] =	vst v63  }
0x180: {  	v3 =	vld [tilespmem:s11+$0x150];
	_ =	sdelay $0x4  }
0x181: {  	v62 =	vshll.u32 v3, $0x1  }
0x182: {  	v3 =	vand.u32 $0x7, v3;
	v4 =	vand.u32 $0xFFFFFFF0, v62  }
0x183: {  	v3 =	vor.u32 v3, v4  }
0x184: {  	v4 =	vperm.xlane v3, v0;
	_ =	sdelay $0x1  }
0x185: {  	v3 =	vperm.xlane v3, v2;
	v4 =	vadd.s32 v1, v4;
	_ =	sdelay $0x1  }
0x186: {  	v3 =	vadd.s32 v1, v3;
	_ =	sdelay $0x2  }
0x187: {  	[tilespmem:s18], [sflag:$0x1] =	stream.indirect_vreg.gather [hbm4b:s2+s3], $0x80, v4, vm0, $0xb8;
	[tilespmem:$0x1A000] =	vst v63  }
0x188: {  	_ = 	snop  }
0x189: {  	[tilespmem:s19], [sflag:$0x1] =	stream.indirect_vreg.gather [hbm4b:s2+s3], $0x80, v3, vm0, $0xb8;
	[tilespmem:$0x1A000] =	vst v63  }
0x18a: {  	v3 =	vld.msk [tilespmem:s11+$0x160], $0xff;
	_ =	sdelay $0x4  }
0x18b: {  	v63 =	vshll.u32 v3, $0x1  }
0x18c: {  	v3 =	vand.u32 $0x7, v3;
	v4 =	vand.u32 $0xFFFFFFF0, v63  }
0x18d: {  	v3 =	vor.u32 v3, v4  }
0x18e: {  	v3 =	vperm.xlane v3, v0;
	_ =	sdelay $0x1  }
0x18f: {  	v3 =	vadd.s32 v1, v3;
	_ =	sdelay $0x4  }
0x190: {  	[tilespmem:s20], [sflag:$0x1] =	stream.indirect_vreg.gather [hbm4b:s2+s3], $0x80, v3, vm0, $0xb8;
	[tilespmem:$0x1A000] =	vst v63  }
.LBB2_8:
0x191: {  	_ =	swait.ge [sflag:s6], $0x6800  }
0x192: {  	[sflag:s6] =	ssyncset.done $0x0  }
0x193: {  	[sflag:s6] =	ssyncadd.s32 $0xFFFF9800  }
0x194: {  	v10 =	vld [tilespmem:$0xA000]  }
0x195: {  	v11 =	vld [tilespmem:$0xA010]  }
0x196: {  	v12 =	vld [tilespmem:$0xA020]  }
0x197: {  	v13 =	vld [tilespmem:$0xA030]  }
0x198: {  	v16 =	vld [tilespmem:$0xA040]  }
0x199: {  	v20 =	vld [tilespmem:$0xA050]  }
0x19a: {  	v23 =	vld [tilespmem:$0xA060]  }
0x19b: {  	v24 =	vld [tilespmem:$0xA070]  }
0x19c: {  	v25 =	vld [tilespmem:$0xA400]  }
0x19d: {  	v9 =	vld [tilespmem:$0xA410]  }
0x19e: {  	v8 =	vld [tilespmem:$0xA420]  }
0x19f: {  	v7 =	vld [tilespmem:$0xA430]  }
0x1a0: {  	v5 =	vld [tilespmem:$0xA440]  }
0x1a1: {  	s11 =	simm.s32 $0x100;
	s12 =	simm.s32 $0x80;
	v4 =	vld [tilespmem:$0xA450]  }
0x1a2: {  	s11 =	sand.u32 $0x3800, s11;
	s12 =	sand.u32 $0x380, s12;
	v3 =	vld [tilespmem:$0xA460]  }
0x1a3: {  	s11 =	sor.u32 s12, s11;
	v6 =	vld [tilespmem:$0xA470]  }
0x1a4: {  	v14 =	vld [tilespmem:s11+$0xA470]  }
0x1a5: {  	v15 =	vld [tilespmem:s11+$0xA000]  }
0x1a6: {  	v17 =	vld [tilespmem:s11+$0xA010]  }
0x1a7: {  	v19 =	vld [tilespmem:s11+$0xA020]  }
0x1a8: {  	v26 =	vld [tilespmem:s11+$0xA030]  }
0x1a9: {  	v27 =	vld [tilespmem:s11+$0xA040]  }
0x1aa: {  	v28 =	vld [tilespmem:s11+$0xA050]  }
0x1ab: {  	v29 =	vld [tilespmem:s11+$0xA060]  }
0x1ac: {  	v30 =	vld [tilespmem:s11+$0xA070]  }
0x1ad: {  	v31 =	vld [tilespmem:s11+$0xA400]  }
0x1ae: {  	v22 =	vld [tilespmem:s11+$0xA410];
	v6 =	vadd.f32 v14, v6;
	v18 =	vadd.f32 v15, v10  }
0x1af: {  	v21 =	vld [tilespmem:s11+$0xA420];
	v17 =	vadd.f32 v17, v11;
	v14 =	vadd.f32 v19, v12  }
0x1b0: {  	v15 =	vadd.f32 v26, v13;
	v10 =	vadd.f32 v27, v16;
	v19 =	vld [tilespmem:s11+$0xA430]  }
0x1b1: {  	s13 =	simm.s32 $0x200;
	s12 =	simm.s32 $0x100;
	v11 =	vadd.f32 v28, v20;
	v12 =	vadd.f32 v29, v23;
	v20 =	vld [tilespmem:s11+$0xA440]  }
0x1b2: {  	s14 =	sand.u32 $0x3800, s13;
	s13 =	simm.s32 $0x300;
	s15 =	sand.u32 $0x380, s12;
	v13 =	vadd.f32 v30, v24;
	v16 =	vadd.f32 v31, v25;
	v23 =	vld [tilespmem:s11+$0xA450]  }
.LBB2_9:
0x1b3: {  	p0 =	sne.s32 s13, $0x3100;
	v9 =	vadd.f32 v22, v9;
	v22 =	vld [tilespmem:s11+$0xA460];
	s11 =	sor.u32 s15, s14  }
0x1b4: {  	v24 =	vld [tilespmem:s11+$0xA470];
	v8 =	vadd.f32 v21, v8  }
0x1b5: {  	v21 =	vld [tilespmem:s11+$0xA000];
	v7 =	vadd.f32 v19, v7  }
0x1b6: {  	v19 =	vld [tilespmem:s11+$0xA010];
	v5 =	vadd.f32 v20, v5  }
0x1b7: {  	v20 =	vld [tilespmem:s11+$0xA020];
	v4 =	vadd.f32 v23, v4  }
0x1b8: {  	v23 =	vld [tilespmem:s11+$0xA030];
	v3 =	vadd.f32 v22, v3  }
0x1b9: {  	v22 =	vld [tilespmem:s11+$0xA040];
	v6 =	vadd.f32 v24, v6  }
0x1ba: {  	v18 =	vadd.f32 v21, v18;
	v21 =	vld [tilespmem:s11+$0xA050]  }
0x1bb: {  	v17 =	vadd.f32 v19, v17;
	v19 =	vld [tilespmem:s11+$0xA060]  }
0x1bc: {  	v14 =	vadd.f32 v20, v14;
	v20 =	vld [tilespmem:s11+$0xA070]  }
0x1bd: {  	v15 =	vadd.f32 v23, v15;
	v23 =	vld [tilespmem:s11+$0xA400]  }
.Ltmp3:
0x1be: {  	v10 =	vadd.f32 v22, v10;
	v22 =	vld [tilespmem:s11+$0xA410];
	(pc) =	sbr.rel @p0 .LBB2_9-.Ltmp3, $4  }
0x1bf: {  	v11 =	vadd.f32 v21, v11;
	v21 =	vld [tilespmem:s11+$0xA420]  }
0x1c0: {  	v12 =	vadd.f32 v19, v12;
	v19 =	vld [tilespmem:s11+$0xA430]  }
0x1c1: {  	s12 =	sadd.s32 $0x80, s12;
	v13 =	vadd.f32 v20, v13;
	v20 =	vld [tilespmem:s11+$0xA440]  }
0x1c2: {  	s14 =	sand.u32 $0x3800, s13;
	s13 =	sadd.s32 $0x100, s13;
	s15 =	sand.u32 $0x380, s12;
	v16 =	vadd.f32 v23, v16;
	v23 =	vld [tilespmem:s11+$0xA450]  }
0x1c3: {  	s12 =	sor.u32 s15, s14;
	v24 =	vld [tilespmem:s11+$0xA460]  }
0x1c4: {  	v25 =	vld [tilespmem:s12+$0xA470]  }
0x1c5: {  	v26 =	vld [tilespmem:s12+$0xA000]  }
0x1c6: {  	v27 =	vld [tilespmem:s12+$0xA010]  }
0x1c7: {  	v28 =	vld [tilespmem:s12+$0xA020]  }
0x1c8: {  	v29 =	vld [tilespmem:s12+$0xA030]  }
0x1c9: {  	v30 =	vld [tilespmem:s12+$0xA040]  }
0x1ca: {  	v31 =	vld [tilespmem:s12+$0xA050]  }
0x1cb: {  	v32 =	vld [tilespmem:s12+$0xA060]  }
0x1cc: {  	v33 =	vld [tilespmem:s12+$0xA070]  }
0x1cd: {  	v34 =	vld [tilespmem:s12+$0xA400]  }
0x1ce: {  	v35 =	vld [tilespmem:s12+$0xA410]  }
0x1cf: {  	v36 =	vld [tilespmem:s12+$0xA420]  }
0x1d0: {  	s8 =	sshll.u32 s8, $0x8;
	v37 =	vld [tilespmem:s12+$0xA430]  }
0x1d1: {  	v38 =	vld [tilespmem:s12+$0xA440];
	s8 =	sand.u32 $0x300, s8;
	v18 =	vadd.f32 v26, v18  }
0x1d2: {  	v54 =	vld [tilespmem:s12+$0xA450];
	s14 =	sadd.s32 s8, s10;
	v17 =	vadd.f32 v27, v17  }
0x1d3: {  	v55 =	vld [tilespmem:s12+$0xA460];
	v14 =	vadd.f32 v28, v14;
	[tilespmem:s14+$0x0] =	vst v18  }
0x1d4: {  	v15 =	vadd.f32 v29, v15;
	[tilespmem:s14+$0x10] =	vst v17  }
0x1d5: {  	v10 =	vadd.f32 v30, v10;
	[tilespmem:s14+$0x20] =	vst v14  }
0x1d6: {  	v11 =	vadd.f32 v31, v11;
	[tilespmem:s14+$0x30] =	vst v15  }
0x1d7: {  	v12 =	vadd.f32 v32, v12;
	[tilespmem:s14+$0x40] =	vst v10  }
0x1d8: {  	v9 =	vadd.f32 v22, v9;
	v10 =	vadd.f32 v33, v13;
	[tilespmem:s14+$0x50] =	vst v11  }
0x1d9: {  	v8 =	vadd.f32 v21, v8;
	s12 =	sor.u32 s9, s8;
	v11 =	vadd.f32 v34, v16;
	[tilespmem:s14+$0x60] =	vst v12  }
0x1da: {  	v7 =	vadd.f32 v19, v7;
	s15 =	sor.u32 $0x400, s12;
	v9 =	vadd.f32 v35, v9;
	[tilespmem:s14+$0x70] =	vst v10  }
0x1db: {  	v5 =	vadd.f32 v20, v5;
	s16 =	sor.u32 $0x410, s12;
	v8 =	vadd.f32 v36, v8;
	[tilespmem:s15+$0x12000] =	vst v11  }
0x1dc: {  	s13 =	sor.u32 $0x420, s12;
	v4 =	vadd.f32 v23, v4;
	v7 =	vadd.f32 v37, v7;
	[tilespmem:s16+$0x12000] =	vst v9  }
0x1dd: {  	v3 =	vadd.f32 v24, v3;
	v5 =	vadd.f32 v38, v5;
	s14 =	sor.u32 $0x430, s12;
	[tilespmem:s13+$0x12000] =	vst v8  }
0x1de: {  	v4 =	vadd.f32 v54, v4;
	s15 =	sor.u32 $0x440, s12;
	[tilespmem:s14+$0x12000] =	vst v7  }
0x1df: {  	v3 =	vadd.f32 v55, v3;
	s16 =	sor.u32 $0x450, s12;
	[tilespmem:s15+$0x12000] =	vst v5  }
0x1e0: {  	s13 =	sor.u32 $0x460, s12;
	v5 =	vadd.f32 v25, v6;
	[tilespmem:s16+$0x12000] =	vst v4  }
0x1e1: {  	s14 =	sor.u32 $0x470, s12;
	[tilespmem:s13+$0x12000] =	vst v3  }
0x1e2: {  	[tilespmem:s14+$0x12000] =	vst v5  }
0x1e3: {  	v10 =	vld [tilespmem:$0xD100]  }
0x1e4: {  	v11 =	vld [tilespmem:$0xD110]  }
0x1e5: {  	v12 =	vld [tilespmem:$0xD120]  }
0x1e6: {  	v13 =	vld [tilespmem:$0xD130]  }
0x1e7: {  	v16 =	vld [tilespmem:$0xD140]  }
0x1e8: {  	v20 =	vld [tilespmem:$0xD150]  }
0x1e9: {  	v23 =	vld [tilespmem:$0xD160]  }
0x1ea: {  	v56 =	vld [tilespmem:$0xD170]  }
0x1eb: {  	v57 =	vld [tilespmem:$0xD500]  }
0x1ec: {  	v9 =	vld [tilespmem:$0xD510]  }
0x1ed: {  	v8 =	vld [tilespmem:$0xD520]  }
0x1ee: {  	v7 =	vld [tilespmem:$0xD530]  }
0x1ef: {  	v5 =	vld [tilespmem:$0xD540]  }
0x1f0: {  	s15 =	simm.s32 $0x3300;
	s16 =	simm.s32 $0x1980;
	v4 =	vld [tilespmem:$0xD550]  }
0x1f1: {  	s11 =	sand.u32 $0x7800, s15;
	s12 =	sand.u32 $0x380, s16;
	v3 =	vld [tilespmem:$0xD560]  }
0x1f2: {  	s11 =	sor.u32 s12, s11;
	v6 =	vld [tilespmem:$0xD570]  }
0x1f3: {  	v14 =	vld [tilespmem:s11+$0xA470]  }
0x1f4: {  	v15 =	vld [tilespmem:s11+$0xA000]  }
0x1f5: {  	v17 =	vld [tilespmem:s11+$0xA010]  }
0x1f6: {  	v19 =	vld [tilespmem:s11+$0xA020]  }
0x1f7: {  	v58 =	vld [tilespmem:s11+$0xA030]  }
0x1f8: {  	v59 =	vld [tilespmem:s11+$0xA040]  }
0x1f9: {  	v60 =	vld [tilespmem:s11+$0xA050]  }
0x1fa: {  	v61 =	vld [tilespmem:s11+$0xA060]  }
0x1fb: {  	v62 =	vld [tilespmem:s11+$0xA070]  }
0x1fc: {  	v63 =	vld [tilespmem:s11+$0xA400]  }
0x1fd: {  	v22 =	vld [tilespmem:s11+$0xA410];
	v6 =	vadd.f32 v14, v6;
	v18 =	vadd.f32 v15, v10  }
0x1fe: {  	v21 =	vld [tilespmem:s11+$0xA420];
	v17 =	vadd.f32 v17, v11;
	v14 =	vadd.f32 v19, v12  }
0x1ff: {  	v15 =	vadd.f32 v58, v13;
	v10 =	vadd.f32 v59, v16;
	v19 =	vld [tilespmem:s11+$0xA430]  }
0x200: {  	s13 =	simm.s32 $0x3400;
	s12 =	simm.s32 $0x1A00;
	v11 =	vadd.f32 v60, v20;
	v12 =	vadd.f32 v61, v23;
	v20 =	vld [tilespmem:s11+$0xA440]  }
0x201: {  	s14 =	sand.u32 $0x7800, s13;
	s13 =	simm.s32 $0x3500;
	s15 =	sand.u32 $0x380, s12;
	v13 =	vadd.f32 v62, v56;
	v16 =	vadd.f32 v63, v57;
	v23 =	vld [tilespmem:s11+$0xA450]  }
.LBB2_11:
0x202: {  	p0 =	sne.s32 s13, $0x6300;
	v9 =	vadd.f32 v22, v9;
	v22 =	vld [tilespmem:s11+$0xA460];
	s11 =	sor.u32 s15, s14  }
0x203: {  	v24 =	vld [tilespmem:s11+$0xA470];
	v8 =	vadd.f32 v21, v8  }
0x204: {  	v21 =	vld [tilespmem:s11+$0xA000];
	v7 =	vadd.f32 v19, v7  }
0x205: {  	v19 =	vld [tilespmem:s11+$0xA010];
	v5 =	vadd.f32 v20, v5  }
0x206: {  	v20 =	vld [tilespmem:s11+$0xA020];
	v4 =	vadd.f32 v23, v4  }
0x207: {  	v23 =	vld [tilespmem:s11+$0xA030];
	v3 =	vadd.f32 v22, v3  }
0x208: {  	v22 =	vld [tilespmem:s11+$0xA040];
	v6 =	vadd.f32 v24, v6  }
0x209: {  	v18 =	vadd.f32 v21, v18;
	v21 =	vld [tilespmem:s11+$0xA050]  }
0x20a: {  	v17 =	vadd.f32 v19, v17;
	v19 =	vld [tilespmem:s11+$0xA060]  }
0x20b: {  	v14 =	vadd.f32 v20, v14;
	v20 =	vld [tilespmem:s11+$0xA070]  }
0x20c: {  	v15 =	vadd.f32 v23, v15;
	v23 =	vld [tilespmem:s11+$0xA400]  }
.Ltmp4:
0x20d: {  	v10 =	vadd.f32 v22, v10;
	v22 =	vld [tilespmem:s11+$0xA410];
	(pc) =	sbr.rel @p0 .LBB2_11-.Ltmp4, $4  }
0x20e: {  	v11 =	vadd.f32 v21, v11;
	v21 =	vld [tilespmem:s11+$0xA420]  }
0x20f: {  	v12 =	vadd.f32 v19, v12;
	v19 =	vld [tilespmem:s11+$0xA430]  }
0x210: {  	s12 =	sadd.s32 $0x80, s12;
	v13 =	vadd.f32 v20, v13;
	v20 =	vld [tilespmem:s11+$0xA440]  }
0x211: {  	s14 =	sand.u32 $0x7800, s13;
	s13 =	sadd.s32 $0x100, s13;
	s15 =	sand.u32 $0x380, s12;
	v16 =	vadd.f32 v23, v16;
	v23 =	vld [tilespmem:s11+$0xA450]  }
0x212: {  	s12 =	sor.u32 s15, s14;
	v24 =	vld [tilespmem:s11+$0xA460]  }
0x213: {  	v25 =	vld [tilespmem:s12+$0xA470]  }
0x214: {  	v26 =	vld [tilespmem:s12+$0xA000]  }
0x215: {  	v27 =	vld [tilespmem:s12+$0xA010]  }
0x216: {  	v28 =	vld [tilespmem:s12+$0xA020]  }
0x217: {  	v29 =	vld [tilespmem:s12+$0xA030]  }
0x218: {  	v30 =	vld [tilespmem:s12+$0xA040]  }
0x219: {  	v31 =	vld [tilespmem:s12+$0xA050]  }
0x21a: {  	v32 =	vld [tilespmem:s12+$0xA060]  }
0x21b: {  	v33 =	vld [tilespmem:s12+$0xA070]  }
0x21c: {  	v34 =	vld [tilespmem:s12+$0xA400]  }
0x21d: {  	v35 =	vld [tilespmem:s12+$0xA410]  }
0x21e: {  	v36 =	vld [tilespmem:s12+$0xA420]  }
0x21f: {  	v37 =	vld [tilespmem:s12+$0xA430]  }
0x220: {  	s8 =	sor.u32 $0x80, s8;
	v38 =	vld [tilespmem:s12+$0xA440];
	v18 =	vadd.f32 v26, v18  }
0x221: {  	v59 =	vld [tilespmem:s12+$0xA450];
	s10 =	sadd.s32 s8, s10;
	v17 =	vadd.f32 v27, v17  }
0x222: {  	v60 =	vld [tilespmem:s12+$0xA460];
	v14 =	vadd.f32 v28, v14;
	[tilespmem:s10+$0x0] =	vst v18  }
0x223: {  	v15 =	vadd.f32 v29, v15;
	[tilespmem:s10+$0x10] =	vst v17  }
0x224: {  	v10 =	vadd.f32 v30, v10;
	[tilespmem:s10+$0x20] =	vst v14  }
0x225: {  	v11 =	vadd.f32 v31, v11;
	[tilespmem:s10+$0x30] =	vst v15  }
0x226: {  	v12 =	vadd.f32 v32, v12;
	[tilespmem:s10+$0x40] =	vst v10  }
0x227: {  	v9 =	vadd.f32 v22, v9;
	v61 =	vadd.f32 v33, v13;
	[tilespmem:s10+$0x50] =	vst v11  }
0x228: {  	v8 =	vadd.f32 v21, v8;
	s8 =	sor.u32 s9, s8;
	v62 =	vadd.f32 v34, v16;
	[tilespmem:s10+$0x60] =	vst v12  }
0x229: {  	v7 =	vadd.f32 v19, v7;
	s9 =	sor.u32 $0x400, s8;
	v9 =	vadd.f32 v35, v9;
	[tilespmem:s10+$0x70] =	vst v61  }
0x22a: {  	s11 =	sor.u32 $0x410, s8;
	v5 =	vadd.f32 v20, v5;
	v8 =	vadd.f32 v36, v8;
	[tilespmem:s9+$0x12000] =	vst v62  }
0x22b: {  	s7 =	sadd.s32 $0x1, s7;
	s12 =	sor.u32 $0x420, s8;
	v4 =	vadd.f32 v23, v4;
	v7 =	vadd.f32 v37, v7;
	[tilespmem:s11+$0x12000] =	vst v9  }
0x22c: {  	p0 =	sne.s32 s7, $0x20;
	s13 =	sor.u32 $0x430, s8;
	v3 =	vadd.f32 v24, v3;
	v5 =	vadd.f32 v38, v5;
	[tilespmem:s12+$0x12000] =	vst v8  }
.Ltmp5:
0x22d: {  	s14 =	sor.u32 $0x440, s8;
	v4 =	vadd.f32 v59, v4;
	[tilespmem:s13+$0x12000] =	vst v7;
	(pc) =	sbr.rel @p0 .LBB2_2-.Ltmp5, $4  }
0x22e: {  	s15 =	sor.u32 $0x450, s8;
	v3 =	vadd.f32 v60, v3;
	[tilespmem:s14+$0x12000] =	vst v5  }
0x22f: {  	s16 =	sor.u32 $0x460, s8;
	v63 =	vadd.f32 v25, v6;
	[tilespmem:s15+$0x12000] =	vst v4  }
0x230: {  	s8 =	sor.u32 $0x470, s8;
	[tilespmem:s16+$0x12000] =	vst v3  }
0x231: {  	[tilespmem:s8+$0x12000] =	vst v63  }
0x232: {  	s7 =	rddreg [dreg:$0x4];
	s8 =	simm.s32 $0x12000  }
0x233: {  	[hbm4b:s7+s3] =	stream.linear.scatter [tilespmem:s8], [sflag:$0x3], $0x8000, $0x38;
	[tilespmem:$0x1A000] =	vst v63  }
0x234: {  	s8 =	simm.s32 $0x3  }
0x235: {  	_ =	swait.ge [sflag:s8], $0x8000  }
0x236: {  	s9 =	rddreg [dreg:$0x6]  }
0x237: {  	s16 =	rddreg [dreg:$0x5];
	s9 =	sadd.s32 $0x1, s9  }
0x238: {  	p0 =	sne.s32 s9, s16  }
.Ltmp6:
0x239: {  	_ = 	snop;
	(pc) =	sbr.rel @p0 .LBB2_1-.Ltmp6, $3  }
0x23a: {  	_ =	sdelay $0x1  }
0x23b: {  	[sflag:s8] =	ssyncset.done $0x0  }
0x23c: {  	[sflag:s8] =	ssyncadd.s32 $0xFFFF8000  }
0x23d: {  	_ =	sfence.sel $0x180000  }
0x23e: {  	[bflag:$0x0] =	sbarrier.arrive $0xFFFF  }
0x23f: {  	_ =	strace $0x90000047  }
0x240: {  	s0 =	stileid.u32;
	[bflag:$0x2] =	sbarrier.arrive $0xFFFF  }
0x241: {  	p0 =	sne.s32 s0, $0x0;
	s0 =	rddreg [dreg:$0x2]  }
0x242: {  	s0 =	sadd.s32 @!p0 $0x100000, s0  }
0x243: {  	[sflag:s0] =	ssyncadd.tile.s32 @!p0 $0x1;
	_ =	shalt  }
.Lfunc_end2:
_tile_overlayer_lowered:
.L_overlay_start_2:
0x244: {  	(tag) =	ssettag $0x2  }
0x245: {  	s0 =	rddreg [dreg:$0x0];
	s2 =	stileid.u32  }
0x246: {  	s1 =	rddreg [dreg:$0x1];
	p0 =	sne.s32 s2, $0x0  }
0x247: {  	s3 =	rddreg [dreg:$0x2];
	[bflag:$0x3] =	sbarrier.arrive $0xFFFF;
	s2 =	simm.s32 @!p0 $0x1C03  }
0x248: {  	[timem:s3], [sflag:s2] =	dma.local @!p0 [hbm:s0], s1  }
0x249: {  	s0 =	simm.s32 @!p0 $0x3  }
0x24a: {  	_ =	swait.ge @!p0 [sflag:s0], s1  }
0x24b: {  	s1 =	ssub.s32 @!p0 $0x0, s1;
	[sflag:s0] =	ssyncset.done @!p0 $0x0  }
0x24c: {  	[sflag:s0] =	ssyncadd.s32 @!p0 s1  }
0x24d: {  	[bflag:$0x3] =	sbarrier.arrive $0xFFFF  }
0x24e: {  	_ =	shalt  }

</sc_bundles>
